<compile_context>
chip_gen: v7x
topology: tpu7x:2x2x1
jax: 0.10.2.dev20260603
libtpu: 0.0.44.dev20260713+nightly
codegen_flags: <defaults>
</compile_context>

<pallas_src>
import functools

import jax
import jax.numpy as jnp
from jax import lax
from jax.experimental import pallas as pl
from jax.experimental.pallas import tpu as pltpu
from jax.experimental.pallas import tpu_sc as plsc

NUM_CORES = 2
NUM_SUBCORES = 16
NUM_WORKERS = NUM_CORES * NUM_SUBCORES
CHUNK = 128
NBUF = 8
LOOKAHEAD = 4


@functools.lru_cache(maxsize=None)
def _make_gather(num_rows, dim, batch):
    assert batch % (NUM_WORKERS * CHUNK) == 0
    n_chunks = batch // (NUM_WORKERS * CHUNK)
    assert n_chunks % NBUF == 0 and n_chunks >= 2 * NBUF
    rows_per_worker = n_chunks * CHUNK
    mesh = plsc.VectorSubcoreMesh(core_axis_name="c", subcore_axis_name="s")

    @functools.partial(
        pl.kernel,
        mesh=mesh,
        out_type=jax.ShapeDtypeStruct((batch, dim), jnp.float32),
        compiler_params=pltpu.CompilerParams(use_tc_tiling_on_sc=False),
        scratch_types=[
            pltpu.VMEM((n_chunks, CHUNK), jnp.int32),
            pltpu.VMEM((NBUF, CHUNK, dim), jnp.float32),
            pltpu.SemaphoreType.DMA((NBUF,)),
            pltpu.SemaphoreType.DMA((NBUF,)),
        ],
    )
    def gather_kernel(idx_hbm, table_hbm, out_hbm, idx_v, bufs, gsem, osem):
        wid = lax.axis_index("s") * NUM_CORES + lax.axis_index("c")
        base = wid * rows_per_worker
        pltpu.sync_copy(idx_hbm.at[wid], idx_v)

        def gather_start(g, slot):
            pltpu.async_copy(table_hbm.at[idx_v.at[g]], bufs.at[slot],
                             gsem.at[slot])

        def gather_wait(g, slot):
            pltpu.make_async_copy(table_hbm.at[idx_v.at[g]], bufs.at[slot],
                                  gsem.at[slot]).wait()

        def out_start(g, slot):
            pltpu.async_copy(bufs.at[slot],
                             out_hbm.at[pl.ds(base + g * CHUNK, CHUNK)],
                             osem.at[slot])

        def out_wait(g, slot):
            pltpu.make_async_copy(bufs.at[slot],
                                  out_hbm.at[pl.ds(base + g * CHUNK, CHUNK)],
                                  osem.at[slot]).wait()

        for s in range(LOOKAHEAD):
            gather_start(s, s)
        for g in range(NBUF - LOOKAHEAD):
            gather_start(g + LOOKAHEAD, g + LOOKAHEAD)
            gather_wait(g, g)
            out_start(g, g)

        start = NBUF - LOOKAHEAD
        n_main = n_chunks - NBUF

        def body(t, carry):
            for s in range(NBUF):
                g = start + t * NBUF + s
                slot = (start + s) % NBUF
                f = g + LOOKAHEAD
                fslot = (slot + LOOKAHEAD) % NBUF
                out_wait(f - NBUF, fslot)
                gather_start(f, fslot)
                gather_wait(g, slot)
                out_start(g, slot)
            return carry

        lax.fori_loop(0, n_main // NBUF, body, 0)

        for k in range(LOOKAHEAD):
            g = n_chunks - LOOKAHEAD + k
            slot = g % NBUF
            gather_wait(g, slot)
            out_start(g, slot)
        for k in range(NBUF):
            g = n_chunks - NBUF + k
            out_wait(g, g % NBUF)

    return gather_kernel


def kernel(input, weight):
    b0, b1 = input.shape
    num_rows, dim = weight.shape
    idx = input.reshape(NUM_WORKERS, -1, CHUNK)
    if idx.dtype != jnp.int32:
        idx = idx.astype(jnp.int32)
    out = _make_gather(num_rows, dim, b0 * b1)(idx, weight)
    return out.reshape(b0, b1, dim)

# --- scband reference (transcript-rebuilt; emitter-appended) ---
"""Pipeline reference for scband-embedding-27238682591542 (READ-ONLY COPY).

The authoritative reference and input builder live on the scoring server;
editing this copy changes nothing except your own understanding.
"""

import jax, jax.numpy as jnp
import numpy as np

NUM_EMBEDDINGS = 1000000
EMBEDDING_DIM = 64
BATCH = 16384
FIELDS = 26

def setup_inputs(seed: int = 0) -> dict:
    key = jax.random.key(seed)
    k_idx, k_w = jax.random.split(key)
    input = jax.random.randint(k_idx, (BATCH, FIELDS), 0, NUM_EMBEDDINGS, dtype=jnp.int64 if jax.config.jax_enable_x64 else jnp.int32)
    weight = jax.random.normal(k_w, (NUM_EMBEDDINGS, EMBEDDING_DIM), dtype=jnp.float32)
    return {"input": input, "weight": weight}

def reference(input, weight):
    # Embedding lookup: gather rows of weight by indices
    return jnp.take(weight, input, axis=0)

if __name__ == "__main__":
    import jax
    _d = setup_inputs()
    print(jax.jit(kernel)(*tuple(_d.values())))

</pallas_src>

<mosaic_0001>
#map = affine_map<(d0, d1) -> (0, 0, 0)>
#map1 = affine_map<(d0, d1) -> (0, 0)>
module attributes {stable_mosaic.version = 14 : i64} {
  func.func @gather_kernel(%arg0: i32, %arg1: i32, %arg2: memref<32x104x128xi32, #tpu.memory_space<hbm>>, %arg3: memref<1000000x64xf32, #tpu.memory_space<hbm>>, %arg4: memref<425984x64xf32, #tpu.memory_space<hbm>>, %arg5: memref<104x128xi32, #tpu.memory_space<vmem>>, %arg6: memref<8x128x64xf32, #tpu.memory_space<vmem>>, %arg7: memref<8x!tpu.dma_semaphore, #tpu.memory_space<semaphore_mem>>, %arg8: memref<8x!tpu.dma_semaphore, #tpu.memory_space<semaphore_mem>>) attributes {dimension_semantics = [#tpu.dimension_semantics<core_parallel>, #tpu.dimension_semantics<subcore_parallel>], iteration_bounds = array<i64: 2, 16>, scalar_prefetch = 0 : i64, scratch_operands = 4 : i64, tpu.core_type = #tpu.core_type<sc_vector_subcore>, window_params = [{transform_indices = #map}, {transform_indices = #map1}, {transform_indices = #map1}]} {
    %mul3A = arith.constant 2 : i32
    %mul3A_0 = arith.muli %arg1, %mul3A : i32
    %add3A = arith.addi %mul3A_0, %arg0 : i32
    %mul3A_1 = arith.constant 13312 : i32
    %mul3A_2 = arith.muli %add3A, %mul3A_1 : i32
    "tpu.region"() ({
      %run_scoped3A = tpu.sem_alloc : memref<!tpu.dma_semaphore, #tpu.memory_space<semaphore_mem>>
      %dma_start3A_534 = arith.constant 0 : i32
      %dma_start3A_535 = arith.constant 0 : i32
      %dma_start3A_536 = tpu.memref_slice %arg2[%add3A, %dma_start3A_534, %dma_start3A_535] : memref<32x104x128xi32, #tpu.memory_space<hbm>> -> memref<1x104x128xi32, #tpu.memory_space<hbm>>
      %dma_start3A_537 = tpu.memref_squeeze %dma_start3A_536 : memref<1x104x128xi32, #tpu.memory_space<hbm>> -> memref<104x128xi32, #tpu.memory_space<hbm>>
      %dma_start3A_538 = arith.constant 0 : i32
      %dma_start3A_539 = arith.constant 0 : i32
      %dma_start3A_540 = tpu.memref_slice %arg2[%add3A, %dma_start3A_538, %dma_start3A_539] : memref<32x104x128xi32, #tpu.memory_space<hbm>> -> memref<1x104x128xi32, #tpu.memory_space<hbm>>
      %dma_start3A_541 = tpu.memref_squeeze %dma_start3A_540 : memref<1x104x128xi32, #tpu.memory_space<hbm>> -> memref<104x128xi32, #tpu.memory_space<hbm>>
      tpu.enqueue_dma source(%dma_start3A_541 : memref<104x128xi32, #tpu.memory_space<hbm>>) target(%arg5 : memref<104x128xi32, #tpu.memory_space<vmem>>) target_semaphore(%run_scoped3A : memref<!tpu.dma_semaphore, #tpu.memory_space<semaphore_mem>>)
      %dma_wait3A_542 = arith.constant 0 : i32
      %dma_wait3A_543 = arith.constant 0 : i32
      %dma_wait3A_544 = tpu.memref_slice %arg2[%add3A, %dma_wait3A_542, %dma_wait3A_543] : memref<32x104x128xi32, #tpu.memory_space<hbm>> -> memref<1x104x128xi32, #tpu.memory_space<hbm>>
      %dma_wait3A_545 = tpu.memref_squeeze %dma_wait3A_544 : memref<1x104x128xi32, #tpu.memory_space<hbm>> -> memref<104x128xi32, #tpu.memory_space<hbm>>
      %dma_wait3A_546 = arith.constant 0 : i32
      %dma_wait3A_547 = arith.constant 0 : i32
      %dma_wait3A_548 = tpu.memref_slice %arg2[%add3A, %dma_wait3A_546, %dma_wait3A_547] : memref<32x104x128xi32, #tpu.memory_space<hbm>> -> memref<1x104x128xi32, #tpu.memory_space<hbm>>
      %dma_wait3A_549 = tpu.memref_squeeze %dma_wait3A_548 : memref<1x104x128xi32, #tpu.memory_space<hbm>> -> memref<104x128xi32, #tpu.memory_space<hbm>>
      tpu.wait_dma2 semaphore(%run_scoped3A : memref<!tpu.dma_semaphore, #tpu.memory_space<semaphore_mem>>) src(%dma_wait3A_549 : memref<104x128xi32, #tpu.memory_space<hbm>>) dst(%arg5 : memref<104x128xi32, #tpu.memory_space<vmem>>)
      tpu.yield
    }) : () -> ()
    %dma_start3A = arith.constant 0 : i32
    %dma_start3A_3 = arith.constant 0 : i32
    %dma_start3A_4 = arith.constant 0 : i32
    %dma_start3A_5 = arith.constant 0 : i32
    %dma_start3A_6 = arith.constant 0 : i32
    %dma_start3A_7 = tpu.memref_slice %arg6[%dma_start3A_3, %dma_start3A_5, %dma_start3A_6] : memref<8x128x64xf32, #tpu.memory_space<vmem>> -> memref<1x128x64xf32, #tpu.memory_space<vmem>>
    %dma_start3A_8 = tpu.memref_squeeze %dma_start3A_7 : memref<1x128x64xf32, #tpu.memory_space<vmem>> -> memref<128x64xf32, #tpu.memory_space<vmem>>
    %dma_start3A_9 = arith.constant 0 : i32
    %dma_start3A_10 = tpu.memref_slice %arg5[%dma_start3A, %dma_start3A_9] : memref<104x128xi32, #tpu.memory_space<vmem>> -> memref<1x128xi32, #tpu.memory_space<vmem>>
    %dma_start3A_11 = tpu.memref_squeeze %dma_start3A_10 : memref<1x128xi32, #tpu.memory_space<vmem>> -> memref<128xi32, #tpu.memory_space<vmem>>
    %dma_start3A_12 = arith.constant 0 : i32
    %dma_start3A_13 = arith.constant 0 : i32
    %dma_start3A_14 = tpu.memref_slice %arg3[%dma_start3A_12, %dma_start3A_13] : memref<1000000x64xf32, #tpu.memory_space<hbm>> -> memref<1000000x64xf32, #tpu.memory_space<hbm>>
    %dma_start3A_15 = tpu.memref_slice %arg7[%dma_start3A_4] : memref<8x!tpu.dma_semaphore, #tpu.memory_space<semaphore_mem>> -> memref<1x!tpu.dma_semaphore, #tpu.memory_space<semaphore_mem>>
    %dma_start3A_16 = tpu.memref_squeeze %dma_start3A_15 : memref<1x!tpu.dma_semaphore, #tpu.memory_space<semaphore_mem>> -> memref<!tpu.dma_semaphore, #tpu.memory_space<semaphore_mem>>
    tpu.enqueue_indirect_dma source(%dma_start3A_14 : memref<1000000x64xf32, #tpu.memory_space<hbm>>) target(%dma_start3A_8 : memref<128x64xf32, #tpu.memory_space<vmem>>) offsets(%dma_start3A_11 : memref<128xi32, #tpu.memory_space<vmem>>) semaphore(%dma_start3A_16 : memref<!tpu.dma_semaphore, #tpu.memory_space<semaphore_mem>>)
    %dma_start3A_17 = arith.constant 1 : i32
    %dma_start3A_18 = arith.constant 1 : i32
    %dma_start3A_19 = arith.constant 1 : i32
    %dma_start3A_20 = arith.constant 0 : i32
    %dma_start3A_21 = arith.constant 0 : i32
    %dma_start3A_22 = tpu.memref_slice %arg6[%dma_start3A_18, %dma_start3A_20, %dma_start3A_21] : memref<8x128x64xf32, #tpu.memory_space<vmem>> -> memref<1x128x64xf32, #tpu.memory_space<vmem>>
    %dma_start3A_23 = tpu.memref_squeeze %dma_start3A_22 : memref<1x128x64xf32, #tpu.memory_space<vmem>> -> memref<128x64xf32, #tpu.memory_space<vmem>>
    %dma_start3A_24 = arith.constant 0 : i32
    %dma_start3A_25 = tpu.memref_slice %arg5[%dma_start3A_17, %dma_start3A_24] : memref<104x128xi32, #tpu.memory_space<vmem>> -> memref<1x128xi32, #tpu.memory_space<vmem>>
    %dma_start3A_26 = tpu.memref_squeeze %dma_start3A_25 : memref<1x128xi32, #tpu.memory_space<vmem>> -> memref<128xi32, #tpu.memory_space<vmem>>
    %dma_start3A_27 = arith.constant 0 : i32
    %dma_start3A_28 = arith.constant 0 : i32
    %dma_start3A_29 = tpu.memref_slice %arg3[%dma_start3A_27, %dma_start3A_28] : memref<1000000x64xf32, #tpu.memory_space<hbm>> -> memref<1000000x64xf32, #tpu.memory_space<hbm>>
    %dma_start3A_30 = tpu.memref_slice %arg7[%dma_start3A_19] : memref<8x!tpu.dma_semaphore, #tpu.memory_space<semaphore_mem>> -> memref<1x!tpu.dma_semaphore, #tpu.memory_space<semaphore_mem>>
    %dma_start3A_31 = tpu.memref_squeeze %dma_start3A_30 : memref<1x!tpu.dma_semaphore, #tpu.memory_space<semaphore_mem>> -> memref<!tpu.dma_semaphore, #tpu.memory_space<semaphore_mem>>
    tpu.enqueue_indirect_dma source(%dma_start3A_29 : memref<1000000x64xf32, #tpu.memory_space<hbm>>) target(%dma_start3A_23 : memref<128x64xf32, #tpu.memory_space<vmem>>) offsets(%dma_start3A_26 : memref<128xi32, #tpu.memory_space<vmem>>) semaphore(%dma_start3A_31 : memref<!tpu.dma_semaphore, #tpu.memory_space<semaphore_mem>>)
    %dma_start3A_32 = arith.constant 2 : i32
    %dma_start3A_33 = arith.constant 2 : i32
    %dma_start3A_34 = arith.constant 2 : i32
    %dma_start3A_35 = arith.constant 0 : i32
    %dma_start3A_36 = arith.constant 0 : i32
    %dma_start3A_37 = tpu.memref_slice %arg6[%dma_start3A_33, %dma_start3A_35, %dma_start3A_36] : memref<8x128x64xf32, #tpu.memory_space<vmem>> -> memref<1x128x64xf32, #tpu.memory_space<vmem>>
    %dma_start3A_38 = tpu.memref_squeeze %dma_start3A_37 : memref<1x128x64xf32, #tpu.memory_space<vmem>> -> memref<128x64xf32, #tpu.memory_space<vmem>>
    %dma_start3A_39 = arith.constant 0 : i32
    %dma_start3A_40 = tpu.memref_slice %arg5[%dma_start3A_32, %dma_start3A_39] : memref<104x128xi32, #tpu.memory_space<vmem>> -> memref<1x128xi32, #tpu.memory_space<vmem>>
    %dma_start3A_41 = tpu.memref_squeeze %dma_start3A_40 : memref<1x128xi32, #tpu.memory_space<vmem>> -> memref<128xi32, #tpu.memory_space<vmem>>
    %dma_start3A_42 = arith.constant 0 : i32
    %dma_start3A_43 = arith.constant 0 : i32
    %dma_start3A_44 = tpu.memref_slice %arg3[%dma_start3A_42, %dma_start3A_43] : memref<1000000x64xf32, #tpu.memory_space<hbm>> -> memref<1000000x64xf32, #tpu.memory_space<hbm>>
    %dma_start3A_45 = tpu.memref_slice %arg7[%dma_start3A_34] : memref<8x!tpu.dma_semaphore, #tpu.memory_space<semaphore_mem>> -> memref<1x!tpu.dma_semaphore, #tpu.memory_space<semaphore_mem>>
    %dma_start3A_46 = tpu.memref_squeeze %dma_start3A_45 : memref<1x!tpu.dma_semaphore, #tpu.memory_space<semaphore_mem>> -> memref<!tpu.dma_semaphore, #tpu.memory_space<semaphore_mem>>
    tpu.enqueue_indirect_dma source(%dma_start3A_44 : memref<1000000x64xf32, #tpu.memory_space<hbm>>) target(%dma_start3A_38 : memref<128x64xf32, #tpu.memory_space<vmem>>) offsets(%dma_start3A_41 : memref<128xi32, #tpu.memory_space<vmem>>) semaphore(%dma_start3A_46 : memref<!tpu.dma_semaphore, #tpu.memory_space<semaphore_mem>>)
    %dma_start3A_47 = arith.constant 3 : i32
    %dma_start3A_48 = arith.constant 3 : i32
    %dma_start3A_49 = arith.constant 3 : i32
    %dma_start3A_50 = arith.constant 0 : i32
    %dma_start3A_51 = arith.constant 0 : i32
    %dma_start3A_52 = tpu.memref_slice %arg6[%dma_start3A_48, %dma_start3A_50, %dma_start3A_51] : memref<8x128x64xf32, #tpu.memory_space<vmem>> -> memref<1x128x64xf32, #tpu.memory_space<vmem>>
    %dma_start3A_53 = tpu.memref_squeeze %dma_start3A_52 : memref<1x128x64xf32, #tpu.memory_space<vmem>> -> memref<128x64xf32, #tpu.memory_space<vmem>>
    %dma_start3A_54 = arith.constant 0 : i32
    %dma_start3A_55 = tpu.memref_slice %arg5[%dma_start3A_47, %dma_start3A_54] : memref<104x128xi32, #tpu.memory_space<vmem>> -> memref<1x128xi32, #tpu.memory_space<vmem>>
    %dma_start3A_56 = tpu.memref_squeeze %dma_start3A_55 : memref<1x128xi32, #tpu.memory_space<vmem>> -> memref<128xi32, #tpu.memory_space<vmem>>
    %dma_start3A_57 = arith.constant 0 : i32
    %dma_start3A_58 = arith.constant 0 : i32
    %dma_start3A_59 = tpu.memref_slice %arg3[%dma_start3A_57, %dma_start3A_58] : memref<1000000x64xf32, #tpu.memory_space<hbm>> -> memref<1000000x64xf32, #tpu.memory_space<hbm>>
    %dma_start3A_60 = tpu.memref_slice %arg7[%dma_start3A_49] : memref<8x!tpu.dma_semaphore, #tpu.memory_space<semaphore_mem>> -> memref<1x!tpu.dma_semaphore, #tpu.memory_space<semaphore_mem>>
    %dma_start3A_61 = tpu.memref_squeeze %dma_start3A_60 : memref<1x!tpu.dma_semaphore, #tpu.memory_space<semaphore_mem>> -> memref<!tpu.dma_semaphore, #tpu.memory_space<semaphore_mem>>
    tpu.enqueue_indirect_dma source(%dma_start3A_59 : memref<1000000x64xf32, #tpu.memory_space<hbm>>) target(%dma_start3A_53 : memref<128x64xf32, #tpu.memory_space<vmem>>) offsets(%dma_start3A_56 : memref<128xi32, #tpu.memory_space<vmem>>) semaphore(%dma_start3A_61 : memref<!tpu.dma_semaphore, #tpu.memory_space<semaphore_mem>>)
    %dma_start3A_62 = arith.constant 4 : i32
    %dma_start3A_63 = arith.constant 4 : i32
    %dma_start3A_64 = arith.constant 4 : i32
    %dma_start3A_65 = arith.constant 0 : i32
    %dma_start3A_66 = arith.constant 0 : i32
    %dma_start3A_67 = tpu.memref_slice %arg6[%dma_start3A_63, %dma_start3A_65, %dma_start3A_66] : memref<8x128x64xf32, #tpu.memory_space<vmem>> -> memref<1x128x64xf32, #tpu.memory_space<vmem>>
    %dma_start3A_68 = tpu.memref_squeeze %dma_start3A_67 : memref<1x128x64xf32, #tpu.memory_space<vmem>> -> memref<128x64xf32, #tpu.memory_space<vmem>>
    %dma_start3A_69 = arith.constant 0 : i32
    %dma_start3A_70 = tpu.memref_slice %arg5[%dma_start3A_62, %dma_start3A_69] : memref<104x128xi32, #tpu.memory_space<vmem>> -> memref<1x128xi32, #tpu.memory_space<vmem>>
    %dma_start3A_71 = tpu.memref_squeeze %dma_start3A_70 : memref<1x128xi32, #tpu.memory_space<vmem>> -> memref<128xi32, #tpu.memory_space<vmem>>
    %dma_start3A_72 = arith.constant 0 : i32
    %dma_start3A_73 = arith.constant 0 : i32
    %dma_start3A_74 = tpu.memref_slice %arg3[%dma_start3A_72, %dma_start3A_73] : memref<1000000x64xf32, #tpu.memory_space<hbm>> -> memref<1000000x64xf32, #tpu.memory_space<hbm>>
    %dma_start3A_75 = tpu.memref_slice %arg7[%dma_start3A_64] : memref<8x!tpu.dma_semaphore, #tpu.memory_space<semaphore_mem>> -> memref<1x!tpu.dma_semaphore, #tpu.memory_space<semaphore_mem>>
    %dma_start3A_76 = tpu.memref_squeeze %dma_start3A_75 : memref<1x!tpu.dma_semaphore, #tpu.memory_space<semaphore_mem>> -> memref<!tpu.dma_semaphore, #tpu.memory_space<semaphore_mem>>
    tpu.enqueue_indirect_dma source(%dma_start3A_74 : memref<1000000x64xf32, #tpu.memory_space<hbm>>) target(%dma_start3A_68 : memref<128x64xf32, #tpu.memory_space<vmem>>) offsets(%dma_start3A_71 : memref<128xi32, #tpu.memory_space<vmem>>) semaphore(%dma_start3A_76 : memref<!tpu.dma_semaphore, #tpu.memory_space<semaphore_mem>>)
    %dma_wait3A = arith.constant 0 : i32
    %dma_wait3A_77 = arith.constant 0 : i32
    %dma_wait3A_78 = arith.constant 0 : i32
    %dma_wait3A_79 = arith.constant 0 : i32
    %dma_wait3A_80 = arith.constant 0 : i32
    %dma_wait3A_81 = tpu.memref_slice %arg6[%dma_wait3A_77, %dma_wait3A_79, %dma_wait3A_80] : memref<8x128x64xf32, #tpu.memory_space<vmem>> -> memref<1x128x64xf32, #tpu.memory_space<vmem>>
    %dma_wait3A_82 = tpu.memref_squeeze %dma_wait3A_81 : memref<1x128x64xf32, #tpu.memory_space<vmem>> -> memref<128x64xf32, #tpu.memory_space<vmem>>
    %dma_wait3A_83 = arith.constant 0 : i32
    %dma_wait3A_84 = tpu.memref_slice %arg5[%dma_wait3A, %dma_wait3A_83] : memref<104x128xi32, #tpu.memory_space<vmem>> -> memref<1x128xi32, #tpu.memory_space<vmem>>
    %dma_wait3A_85 = tpu.memref_squeeze %dma_wait3A_84 : memref<1x128xi32, #tpu.memory_space<vmem>> -> memref<128xi32, #tpu.memory_space<vmem>>
    %dma_wait3A_86 = arith.constant 0 : i32
    %dma_wait3A_87 = arith.constant 0 : i32
    %dma_wait3A_88 = tpu.memref_slice %arg3[%dma_wait3A_86, %dma_wait3A_87] : memref<1000000x64xf32, #tpu.memory_space<hbm>> -> memref<1000000x64xf32, #tpu.memory_space<hbm>>
    %dma_wait3A_89 = tpu.memref_slice %arg7[%dma_wait3A_78] : memref<8x!tpu.dma_semaphore, #tpu.memory_space<semaphore_mem>> -> memref<1x!tpu.dma_semaphore, #tpu.memory_space<semaphore_mem>>
    %dma_wait3A_90 = tpu.memref_squeeze %dma_wait3A_89 : memref<1x!tpu.dma_semaphore, #tpu.memory_space<semaphore_mem>> -> memref<!tpu.dma_semaphore, #tpu.memory_space<semaphore_mem>>
    tpu.wait_indirect_dma semaphore(%dma_wait3A_90 : memref<!tpu.dma_semaphore, #tpu.memory_space<semaphore_mem>>) src(%dma_wait3A_88 : memref<1000000x64xf32, #tpu.memory_space<hbm>>) dst(%dma_wait3A_82 : memref<128x64xf32, #tpu.memory_space<vmem>>)
    %add3A_91 = arith.constant 0 : i32
    %add3A_92 = arith.addi %mul3A_2, %add3A_91 : i32
    %dma_start3A_93 = arith.constant 0 : i32
    %dma_start3A_94 = arith.constant 0 : i32
    %dma_start3A_95 = arith.constant 0 : i32
    %dma_start3A_96 = arith.constant 0 : i32
    %dma_start3A_97 = tpu.memref_slice %arg6[%dma_start3A_93, %dma_start3A_95, %dma_start3A_96] : memref<8x128x64xf32, #tpu.memory_space<vmem>> -> memref<1x128x64xf32, #tpu.memory_space<vmem>>
    %dma_start3A_98 = tpu.memref_squeeze %dma_start3A_97 : memref<1x128x64xf32, #tpu.memory_space<vmem>> -> memref<128x64xf32, #tpu.memory_space<vmem>>
    %dma_start3A_99 = arith.constant 0 : i32
    %dma_start3A_100 = tpu.memref_slice %arg4[%add3A_92, %dma_start3A_99] : memref<425984x64xf32, #tpu.memory_space<hbm>> -> memref<128x64xf32, #tpu.memory_space<hbm>>
    %dma_start3A_101 = tpu.memref_slice %arg8[%dma_start3A_94] : memref<8x!tpu.dma_semaphore, #tpu.memory_space<semaphore_mem>> -> memref<1x!tpu.dma_semaphore, #tpu.memory_space<semaphore_mem>>
    %dma_start3A_102 = tpu.memref_squeeze %dma_start3A_101 : memref<1x!tpu.dma_semaphore, #tpu.memory_space<semaphore_mem>> -> memref<!tpu.dma_semaphore, #tpu.memory_space<semaphore_mem>>
    %dma_start3A_103 = arith.constant 0 : i32
    %dma_start3A_104 = tpu.memref_slice %arg4[%add3A_92, %dma_start3A_103] : memref<425984x64xf32, #tpu.memory_space<hbm>> -> memref<128x64xf32, #tpu.memory_space<hbm>>
    %dma_start3A_105 = arith.constant 0 : i32
    %dma_start3A_106 = arith.constant 0 : i32
    %dma_start3A_107 = tpu.memref_slice %arg6[%dma_start3A_93, %dma_start3A_105, %dma_start3A_106] : memref<8x128x64xf32, #tpu.memory_space<vmem>> -> memref<1x128x64xf32, #tpu.memory_space<vmem>>
    %dma_start3A_108 = tpu.memref_squeeze %dma_start3A_107 : memref<1x128x64xf32, #tpu.memory_space<vmem>> -> memref<128x64xf32, #tpu.memory_space<vmem>>
    tpu.enqueue_dma source(%dma_start3A_108 : memref<128x64xf32, #tpu.memory_space<vmem>>) target(%dma_start3A_104 : memref<128x64xf32, #tpu.memory_space<hbm>>) target_semaphore(%dma_start3A_102 : memref<!tpu.dma_semaphore, #tpu.memory_space<semaphore_mem>>)
    %dma_start3A_109 = arith.constant 5 : i32
    %dma_start3A_110 = arith.constant 5 : i32
    %dma_start3A_111 = arith.constant 5 : i32
    %dma_start3A_112 = arith.constant 0 : i32
    %dma_start3A_113 = arith.constant 0 : i32
    %dma_start3A_114 = tpu.memref_slice %arg6[%dma_start3A_110, %dma_start3A_112, %dma_start3A_113] : memref<8x128x64xf32, #tpu.memory_space<vmem>> -> memref<1x128x64xf32, #tpu.memory_space<vmem>>
    %dma_start3A_115 = tpu.memref_squeeze %dma_start3A_114 : memref<1x128x64xf32, #tpu.memory_space<vmem>> -> memref<128x64xf32, #tpu.memory_space<vmem>>
    %dma_start3A_116 = arith.constant 0 : i32
    %dma_start3A_117 = tpu.memref_slice %arg5[%dma_start3A_109, %dma_start3A_116] : memref<104x128xi32, #tpu.memory_space<vmem>> -> memref<1x128xi32, #tpu.memory_space<vmem>>
    %dma_start3A_118 = tpu.memref_squeeze %dma_start3A_117 : memref<1x128xi32, #tpu.memory_space<vmem>> -> memref<128xi32, #tpu.memory_space<vmem>>
    %dma_start3A_119 = arith.constant 0 : i32
    %dma_start3A_120 = arith.constant 0 : i32
    %dma_start3A_121 = tpu.memref_slice %arg3[%dma_start3A_119, %dma_start3A_120] : memref<1000000x64xf32, #tpu.memory_space<hbm>> -> memref<1000000x64xf32, #tpu.memory_space<hbm>>
    %dma_start3A_122 = tpu.memref_slice %arg7[%dma_start3A_111] : memref<8x!tpu.dma_semaphore, #tpu.memory_space<semaphore_mem>> -> memref<1x!tpu.dma_semaphore, #tpu.memory_space<semaphore_mem>>
    %dma_start3A_123 = tpu.memref_squeeze %dma_start3A_122 : memref<1x!tpu.dma_semaphore, #tpu.memory_space<semaphore_mem>> -> memref<!tpu.dma_semaphore, #tpu.memory_space<semaphore_mem>>
    tpu.enqueue_indirect_dma source(%dma_start3A_121 : memref<1000000x64xf32, #tpu.memory_space<hbm>>) target(%dma_start3A_115 : memref<128x64xf32, #tpu.memory_space<vmem>>) offsets(%dma_start3A_118 : memref<128xi32, #tpu.memory_space<vmem>>) semaphore(%dma_start3A_123 : memref<!tpu.dma_semaphore, #tpu.memory_space<semaphore_mem>>)
    %dma_wait3A_124 = arith.constant 1 : i32
    %dma_wait3A_125 = arith.constant 1 : i32
    %dma_wait3A_126 = arith.constant 1 : i32
    %dma_wait3A_127 = arith.constant 0 : i32
    %dma_wait3A_128 = arith.constant 0 : i32
    %dma_wait3A_129 = tpu.memref_slice %arg6[%dma_wait3A_125, %dma_wait3A_127, %dma_wait3A_128] : memref<8x128x64xf32, #tpu.memory_space<vmem>> -> memref<1x128x64xf32, #tpu.memory_space<vmem>>
    %dma_wait3A_130 = tpu.memref_squeeze %dma_wait3A_129 : memref<1x128x64xf32, #tpu.memory_space<vmem>> -> memref<128x64xf32, #tpu.memory_space<vmem>>
    %dma_wait3A_131 = arith.constant 0 : i32
    %dma_wait3A_132 = tpu.memref_slice %arg5[%dma_wait3A_124, %dma_wait3A_131] : memref<104x128xi32, #tpu.memory_space<vmem>> -> memref<1x128xi32, #tpu.memory_space<vmem>>
    %dma_wait3A_133 = tpu.memref_squeeze %dma_wait3A_132 : memref<1x128xi32, #tpu.memory_space<vmem>> -> memref<128xi32, #tpu.memory_space<vmem>>
    %dma_wait3A_134 = arith.constant 0 : i32
    %dma_wait3A_135 = arith.constant 0 : i32
    %dma_wait3A_136 = tpu.memref_slice %arg3[%dma_wait3A_134, %dma_wait3A_135] : memref<1000000x64xf32, #tpu.memory_space<hbm>> -> memref<1000000x64xf32, #tpu.memory_space<hbm>>
    %dma_wait3A_137 = tpu.memref_slice %arg7[%dma_wait3A_126] : memref<8x!tpu.dma_semaphore, #tpu.memory_space<semaphore_mem>> -> memref<1x!tpu.dma_semaphore, #tpu.memory_space<semaphore_mem>>
    %dma_wait3A_138 = tpu.memref_squeeze %dma_wait3A_137 : memref<1x!tpu.dma_semaphore, #tpu.memory_space<semaphore_mem>> -> memref<!tpu.dma_semaphore, #tpu.memory_space<semaphore_mem>>
    tpu.wait_indirect_dma semaphore(%dma_wait3A_138 : memref<!tpu.dma_semaphore, #tpu.memory_space<semaphore_mem>>) src(%dma_wait3A_136 : memref<1000000x64xf32, #tpu.memory_space<hbm>>) dst(%dma_wait3A_130 : memref<128x64xf32, #tpu.memory_space<vmem>>)
    %add3A_139 = arith.constant 128 : i32
    %add3A_140 = arith.addi %mul3A_2, %add3A_139 : i32
    %dma_start3A_141 = arith.constant 1 : i32
    %dma_start3A_142 = arith.constant 1 : i32
    %dma_start3A_143 = arith.constant 0 : i32
    %dma_start3A_144 = arith.constant 0 : i32
    %dma_start3A_145 = tpu.memref_slice %arg6[%dma_start3A_141, %dma_start3A_143, %dma_start3A_144] : memref<8x128x64xf32, #tpu.memory_space<vmem>> -> memref<1x128x64xf32, #tpu.memory_space<vmem>>
    %dma_start3A_146 = tpu.memref_squeeze %dma_start3A_145 : memref<1x128x64xf32, #tpu.memory_space<vmem>> -> memref<128x64xf32, #tpu.memory_space<vmem>>
    %dma_start3A_147 = arith.constant 0 : i32
    %dma_start3A_148 = tpu.memref_slice %arg4[%add3A_140, %dma_start3A_147] : memref<425984x64xf32, #tpu.memory_space<hbm>> -> memref<128x64xf32, #tpu.memory_space<hbm>>
    %dma_start3A_149 = tpu.memref_slice %arg8[%dma_start3A_142] : memref<8x!tpu.dma_semaphore, #tpu.memory_space<semaphore_mem>> -> memref<1x!tpu.dma_semaphore, #tpu.memory_space<semaphore_mem>>
    %dma_start3A_150 = tpu.memref_squeeze %dma_start3A_149 : memref<1x!tpu.dma_semaphore, #tpu.memory_space<semaphore_mem>> -> memref<!tpu.dma_semaphore, #tpu.memory_space<semaphore_mem>>
    %dma_start3A_151 = arith.constant 0 : i32
    %dma_start3A_152 = tpu.memref_slice %arg4[%add3A_140, %dma_start3A_151] : memref<425984x64xf32, #tpu.memory_space<hbm>> -> memref<128x64xf32, #tpu.memory_space<hbm>>
    %dma_start3A_153 = arith.constant 0 : i32
    %dma_start3A_154 = arith.constant 0 : i32
    %dma_start3A_155 = tpu.memref_slice %arg6[%dma_start3A_141, %dma_start3A_153, %dma_start3A_154] : memref<8x128x64xf32, #tpu.memory_space<vmem>> -> memref<1x128x64xf32, #tpu.memory_space<vmem>>
    %dma_start3A_156 = tpu.memref_squeeze %dma_start3A_155 : memref<1x128x64xf32, #tpu.memory_space<vmem>> -> memref<128x64xf32, #tpu.memory_space<vmem>>
    tpu.enqueue_dma source(%dma_start3A_156 : memref<128x64xf32, #tpu.memory_space<vmem>>) target(%dma_start3A_152 : memref<128x64xf32, #tpu.memory_space<hbm>>) target_semaphore(%dma_start3A_150 : memref<!tpu.dma_semaphore, #tpu.memory_space<semaphore_mem>>)
    %dma_start3A_157 = arith.constant 6 : i32
    %dma_start3A_158 = arith.constant 6 : i32
    %dma_start3A_159 = arith.constant 6 : i32
    %dma_start3A_160 = arith.constant 0 : i32
    %dma_start3A_161 = arith.constant 0 : i32
    %dma_start3A_162 = tpu.memref_slice %arg6[%dma_start3A_158, %dma_start3A_160, %dma_start3A_161] : memref<8x128x64xf32, #tpu.memory_space<vmem>> -> memref<1x128x64xf32, #tpu.memory_space<vmem>>
    %dma_start3A_163 = tpu.memref_squeeze %dma_start3A_162 : memref<1x128x64xf32, #tpu.memory_space<vmem>> -> memref<128x64xf32, #tpu.memory_space<vmem>>
    %dma_start3A_164 = arith.constant 0 : i32
    %dma_start3A_165 = tpu.memref_slice %arg5[%dma_start3A_157, %dma_start3A_164] : memref<104x128xi32, #tpu.memory_space<vmem>> -> memref<1x128xi32, #tpu.memory_space<vmem>>
    %dma_start3A_166 = tpu.memref_squeeze %dma_start3A_165 : memref<1x128xi32, #tpu.memory_space<vmem>> -> memref<128xi32, #tpu.memory_space<vmem>>
    %dma_start3A_167 = arith.constant 0 : i32
    %dma_start3A_168 = arith.constant 0 : i32
    %dma_start3A_169 = tpu.memref_slice %arg3[%dma_start3A_167, %dma_start3A_168] : memref<1000000x64xf32, #tpu.memory_space<hbm>> -> memref<1000000x64xf32, #tpu.memory_space<hbm>>
    %dma_start3A_170 = tpu.memref_slice %arg7[%dma_start3A_159] : memref<8x!tpu.dma_semaphore, #tpu.memory_space<semaphore_mem>> -> memref<1x!tpu.dma_semaphore, #tpu.memory_space<semaphore_mem>>
    %dma_start3A_171 = tpu.memref_squeeze %dma_start3A_170 : memref<1x!tpu.dma_semaphore, #tpu.memory_space<semaphore_mem>> -> memref<!tpu.dma_semaphore, #tpu.memory_space<semaphore_mem>>
    tpu.enqueue_indirect_dma source(%dma_start3A_169 : memref<1000000x64xf32, #tpu.memory_space<hbm>>) target(%dma_start3A_163 : memref<128x64xf32, #tpu.memory_space<vmem>>) offsets(%dma_start3A_166 : memref<128xi32, #tpu.memory_space<vmem>>) semaphore(%dma_start3A_171 : memref<!tpu.dma_semaphore, #tpu.memory_space<semaphore_mem>>)
    %dma_wait3A_172 = arith.constant 2 : i32
    %dma_wait3A_173 = arith.constant 2 : i32
    %dma_wait3A_174 = arith.constant 2 : i32
    %dma_wait3A_175 = arith.constant 0 : i32
    %dma_wait3A_176 = arith.constant 0 : i32
    %dma_wait3A_177 = tpu.memref_slice %arg6[%dma_wait3A_173, %dma_wait3A_175, %dma_wait3A_176] : memref<8x128x64xf32, #tpu.memory_space<vmem>> -> memref<1x128x64xf32, #tpu.memory_space<vmem>>
    %dma_wait3A_178 = tpu.memref_squeeze %dma_wait3A_177 : memref<1x128x64xf32, #tpu.memory_space<vmem>> -> memref<128x64xf32, #tpu.memory_space<vmem>>
    %dma_wait3A_179 = arith.constant 0 : i32
    %dma_wait3A_180 = tpu.memref_slice %arg5[%dma_wait3A_172, %dma_wait3A_179] : memref<104x128xi32, #tpu.memory_space<vmem>> -> memref<1x128xi32, #tpu.memory_space<vmem>>
    %dma_wait3A_181 = tpu.memref_squeeze %dma_wait3A_180 : memref<1x128xi32, #tpu.memory_space<vmem>> -> memref<128xi32, #tpu.memory_space<vmem>>
    %dma_wait3A_182 = arith.constant 0 : i32
    %dma_wait3A_183 = arith.constant 0 : i32
    %dma_wait3A_184 = tpu.memref_slice %arg3[%dma_wait3A_182, %dma_wait3A_183] : memref<1000000x64xf32, #tpu.memory_space<hbm>> -> memref<1000000x64xf32, #tpu.memory_space<hbm>>
    %dma_wait3A_185 = tpu.memref_slice %arg7[%dma_wait3A_174] : memref<8x!tpu.dma_semaphore, #tpu.memory_space<semaphore_mem>> -> memref<1x!tpu.dma_semaphore, #tpu.memory_space<semaphore_mem>>
    %dma_wait3A_186 = tpu.memref_squeeze %dma_wait3A_185 : memref<1x!tpu.dma_semaphore, #tpu.memory_space<semaphore_mem>> -> memref<!tpu.dma_semaphore, #tpu.memory_space<semaphore_mem>>
    tpu.wait_indirect_dma semaphore(%dma_wait3A_186 : memref<!tpu.dma_semaphore, #tpu.memory_space<semaphore_mem>>) src(%dma_wait3A_184 : memref<1000000x64xf32, #tpu.memory_space<hbm>>) dst(%dma_wait3A_178 : memref<128x64xf32, #tpu.memory_space<vmem>>)
    %add3A_187 = arith.constant 256 : i32
    %add3A_188 = arith.addi %mul3A_2, %add3A_187 : i32
    %dma_start3A_189 = arith.constant 2 : i32
    %dma_start3A_190 = arith.constant 2 : i32
    %dma_start3A_191 = arith.constant 0 : i32
    %dma_start3A_192 = arith.constant 0 : i32
    %dma_start3A_193 = tpu.memref_slice %arg6[%dma_start3A_189, %dma_start3A_191, %dma_start3A_192] : memref<8x128x64xf32, #tpu.memory_space<vmem>> -> memref<1x128x64xf32, #tpu.memory_space<vmem>>
    %dma_start3A_194 = tpu.memref_squeeze %dma_start3A_193 : memref<1x128x64xf32, #tpu.memory_space<vmem>> -> memref<128x64xf32, #tpu.memory_space<vmem>>
    %dma_start3A_195 = arith.constant 0 : i32
    %dma_start3A_196 = tpu.memref_slice %arg4[%add3A_188, %dma_start3A_195] : memref<425984x64xf32, #tpu.memory_space<hbm>> -> memref<128x64xf32, #tpu.memory_space<hbm>>
    %dma_start3A_197 = tpu.memref_slice %arg8[%dma_start3A_190] : memref<8x!tpu.dma_semaphore, #tpu.memory_space<semaphore_mem>> -> memref<1x!tpu.dma_semaphore, #tpu.memory_space<semaphore_mem>>
    %dma_start3A_198 = tpu.memref_squeeze %dma_start3A_197 : memref<1x!tpu.dma_semaphore, #tpu.memory_space<semaphore_mem>> -> memref<!tpu.dma_semaphore, #tpu.memory_space<semaphore_mem>>
    %dma_start3A_199 = arith.constant 0 : i32
    %dma_start3A_200 = tpu.memref_slice %arg4[%add3A_188, %dma_start3A_199] : memref<425984x64xf32, #tpu.memory_space<hbm>> -> memref<128x64xf32, #tpu.memory_space<hbm>>
    %dma_start3A_201 = arith.constant 0 : i32
    %dma_start3A_202 = arith.constant 0 : i32
    %dma_start3A_203 = tpu.memref_slice %arg6[%dma_start3A_189, %dma_start3A_201, %dma_start3A_202] : memref<8x128x64xf32, #tpu.memory_space<vmem>> -> memref<1x128x64xf32, #tpu.memory_space<vmem>>
    %dma_start3A_204 = tpu.memref_squeeze %dma_start3A_203 : memref<1x128x64xf32, #tpu.memory_space<vmem>> -> memref<128x64xf32, #tpu.memory_space<vmem>>
    tpu.enqueue_dma source(%dma_start3A_204 : memref<128x64xf32, #tpu.memory_space<vmem>>) target(%dma_start3A_200 : memref<128x64xf32, #tpu.memory_space<hbm>>) target_semaphore(%dma_start3A_198 : memref<!tpu.dma_semaphore, #tpu.memory_space<semaphore_mem>>)
    %dma_start3A_205 = arith.constant 7 : i32
    %dma_start3A_206 = arith.constant 7 : i32
    %dma_start3A_207 = arith.constant 7 : i32
    %dma_start3A_208 = arith.constant 0 : i32
    %dma_start3A_209 = arith.constant 0 : i32
    %dma_start3A_210 = tpu.memref_slice %arg6[%dma_start3A_206, %dma_start3A_208, %dma_start3A_209] : memref<8x128x64xf32, #tpu.memory_space<vmem>> -> memref<1x128x64xf32, #tpu.memory_space<vmem>>
    %dma_start3A_211 = tpu.memref_squeeze %dma_start3A_210 : memref<1x128x64xf32, #tpu.memory_space<vmem>> -> memref<128x64xf32, #tpu.memory_space<vmem>>
    %dma_start3A_212 = arith.constant 0 : i32
    %dma_start3A_213 = tpu.memref_slice %arg5[%dma_start3A_205, %dma_start3A_212] : memref<104x128xi32, #tpu.memory_space<vmem>> -> memref<1x128xi32, #tpu.memory_space<vmem>>
    %dma_start3A_214 = tpu.memref_squeeze %dma_start3A_213 : memref<1x128xi32, #tpu.memory_space<vmem>> -> memref<128xi32, #tpu.memory_space<vmem>>
    %dma_start3A_215 = arith.constant 0 : i32
    %dma_start3A_216 = arith.constant 0 : i32
    %dma_start3A_217 = tpu.memref_slice %arg3[%dma_start3A_215, %dma_start3A_216] : memref<1000000x64xf32, #tpu.memory_space<hbm>> -> memref<1000000x64xf32, #tpu.memory_space<hbm>>
    %dma_start3A_218 = tpu.memref_slice %arg7[%dma_start3A_207] : memref<8x!tpu.dma_semaphore, #tpu.memory_space<semaphore_mem>> -> memref<1x!tpu.dma_semaphore, #tpu.memory_space<semaphore_mem>>
    %dma_start3A_219 = tpu.memref_squeeze %dma_start3A_218 : memref<1x!tpu.dma_semaphore, #tpu.memory_space<semaphore_mem>> -> memref<!tpu.dma_semaphore, #tpu.memory_space<semaphore_mem>>
    tpu.enqueue_indirect_dma source(%dma_start3A_217 : memref<1000000x64xf32, #tpu.memory_space<hbm>>) target(%dma_start3A_211 : memref<128x64xf32, #tpu.memory_space<vmem>>) offsets(%dma_start3A_214 : memref<128xi32, #tpu.memory_space<vmem>>) semaphore(%dma_start3A_219 : memref<!tpu.dma_semaphore, #tpu.memory_space<semaphore_mem>>)
    %dma_wait3A_220 = arith.constant 3 : i32
    %dma_wait3A_221 = arith.constant 3 : i32
    %dma_wait3A_222 = arith.constant 3 : i32
    %dma_wait3A_223 = arith.constant 0 : i32
    %dma_wait3A_224 = arith.constant 0 : i32
    %dma_wait3A_225 = tpu.memref_slice %arg6[%dma_wait3A_221, %dma_wait3A_223, %dma_wait3A_224] : memref<8x128x64xf32, #tpu.memory_space<vmem>> -> memref<1x128x64xf32, #tpu.memory_space<vmem>>
    %dma_wait3A_226 = tpu.memref_squeeze %dma_wait3A_225 : memref<1x128x64xf32, #tpu.memory_space<vmem>> -> memref<128x64xf32, #tpu.memory_space<vmem>>
    %dma_wait3A_227 = arith.constant 0 : i32
    %dma_wait3A_228 = tpu.memref_slice %arg5[%dma_wait3A_220, %dma_wait3A_227] : memref<104x128xi32, #tpu.memory_space<vmem>> -> memref<1x128xi32, #tpu.memory_space<vmem>>
    %dma_wait3A_229 = tpu.memref_squeeze %dma_wait3A_228 : memref<1x128xi32, #tpu.memory_space<vmem>> -> memref<128xi32, #tpu.memory_space<vmem>>
    %dma_wait3A_230 = arith.constant 0 : i32
    %dma_wait3A_231 = arith.constant 0 : i32
    %dma_wait3A_232 = tpu.memref_slice %arg3[%dma_wait3A_230, %dma_wait3A_231] : memref<1000000x64xf32, #tpu.memory_space<hbm>> -> memref<1000000x64xf32, #tpu.memory_space<hbm>>
    %dma_wait3A_233 = tpu.memref_slice %arg7[%dma_wait3A_222] : memref<8x!tpu.dma_semaphore, #tpu.memory_space<semaphore_mem>> -> memref<1x!tpu.dma_semaphore, #tpu.memory_space<semaphore_mem>>
    %dma_wait3A_234 = tpu.memref_squeeze %dma_wait3A_233 : memref<1x!tpu.dma_semaphore, #tpu.memory_space<semaphore_mem>> -> memref<!tpu.dma_semaphore, #tpu.memory_space<semaphore_mem>>
    tpu.wait_indirect_dma semaphore(%dma_wait3A_234 : memref<!tpu.dma_semaphore, #tpu.memory_space<semaphore_mem>>) src(%dma_wait3A_232 : memref<1000000x64xf32, #tpu.memory_space<hbm>>) dst(%dma_wait3A_226 : memref<128x64xf32, #tpu.memory_space<vmem>>)
    %add3A_235 = arith.constant 384 : i32
    %add3A_236 = arith.addi %mul3A_2, %add3A_235 : i32
    %dma_start3A_237 = arith.constant 3 : i32
    %dma_start3A_238 = arith.constant 3 : i32
    %dma_start3A_239 = arith.constant 0 : i32
    %dma_start3A_240 = arith.constant 0 : i32
    %dma_start3A_241 = tpu.memref_slice %arg6[%dma_start3A_237, %dma_start3A_239, %dma_start3A_240] : memref<8x128x64xf32, #tpu.memory_space<vmem>> -> memref<1x128x64xf32, #tpu.memory_space<vmem>>
    %dma_start3A_242 = tpu.memref_squeeze %dma_start3A_241 : memref<1x128x64xf32, #tpu.memory_space<vmem>> -> memref<128x64xf32, #tpu.memory_space<vmem>>
    %dma_start3A_243 = arith.constant 0 : i32
    %dma_start3A_244 = tpu.memref_slice %arg4[%add3A_236, %dma_start3A_243] : memref<425984x64xf32, #tpu.memory_space<hbm>> -> memref<128x64xf32, #tpu.memory_space<hbm>>
    %dma_start3A_245 = tpu.memref_slice %arg8[%dma_start3A_238] : memref<8x!tpu.dma_semaphore, #tpu.memory_space<semaphore_mem>> -> memref<1x!tpu.dma_semaphore, #tpu.memory_space<semaphore_mem>>
    %dma_start3A_246 = tpu.memref_squeeze %dma_start3A_245 : memref<1x!tpu.dma_semaphore, #tpu.memory_space<semaphore_mem>> -> memref<!tpu.dma_semaphore, #tpu.memory_space<semaphore_mem>>
    %dma_start3A_247 = arith.constant 0 : i32
    %dma_start3A_248 = tpu.memref_slice %arg4[%add3A_236, %dma_start3A_247] : memref<425984x64xf32, #tpu.memory_space<hbm>> -> memref<128x64xf32, #tpu.memory_space<hbm>>
    %dma_start3A_249 = arith.constant 0 : i32
    %dma_start3A_250 = arith.constant 0 : i32
    %dma_start3A_251 = tpu.memref_slice %arg6[%dma_start3A_237, %dma_start3A_249, %dma_start3A_250] : memref<8x128x64xf32, #tpu.memory_space<vmem>> -> memref<1x128x64xf32, #tpu.memory_space<vmem>>
    %dma_start3A_252 = tpu.memref_squeeze %dma_start3A_251 : memref<1x128x64xf32, #tpu.memory_space<vmem>> -> memref<128x64xf32, #tpu.memory_space<vmem>>
    tpu.enqueue_dma source(%dma_start3A_252 : memref<128x64xf32, #tpu.memory_space<vmem>>) target(%dma_start3A_248 : memref<128x64xf32, #tpu.memory_space<hbm>>) target_semaphore(%dma_start3A_246 : memref<!tpu.dma_semaphore, #tpu.memory_space<semaphore_mem>>)
    %scan3A = arith.constant 0 : i32
    %scan3A_253 = arith.constant 0 : i32
    %scan3A_254 = arith.constant 12 : i32
    %scan3A_255 = arith.addi %scan3A_253, %scan3A_254 : i32
    %scan3A_256 = arith.constant 1 : i32
    scf.for %scan3A_534 = %scan3A_253 to %scan3A_255 step %scan3A_256  : i32 {
      %mul3A_535 = arith.constant 8 : i32
      %mul3A_536 = arith.muli %scan3A_534, %mul3A_535 : i32
      %add3A_537 = arith.constant 4 : i32
      %add3A_538 = arith.addi %add3A_537, %mul3A_536 : i32
      %add3A_539 = arith.constant 0 : i32
      %add3A_540 = arith.addi %add3A_538, %add3A_539 : i32
      %add3A_541 = arith.constant 4 : i32
      %add3A_542 = arith.addi %add3A_540, %add3A_541 : i32
      %sub3A = arith.constant 8 : i32
      %sub3A_543 = arith.subi %add3A_542, %sub3A : i32
      %mul3A_544 = arith.constant 128 : i32
      %mul3A_545 = arith.muli %sub3A_543, %mul3A_544 : i32
      %add3A_546 = arith.addi %mul3A_2, %mul3A_545 : i32
      %dma_wait3A_547 = arith.constant 0 : i32
      %dma_wait3A_548 = arith.constant 0 : i32
      %dma_wait3A_549 = arith.constant 0 : i32
      %dma_wait3A_550 = arith.constant 0 : i32
      %dma_wait3A_551 = tpu.memref_slice %arg6[%dma_wait3A_547, %dma_wait3A_549, %dma_wait3A_550] : memref<8x128x64xf32, #tpu.memory_space<vmem>> -> memref<1x128x64xf32, #tpu.memory_space<vmem>>
      %dma_wait3A_552 = tpu.memref_squeeze %dma_wait3A_551 : memref<1x128x64xf32, #tpu.memory_space<vmem>> -> memref<128x64xf32, #tpu.memory_space<vmem>>
      %dma_wait3A_553 = arith.constant 0 : i32
      %dma_wait3A_554 = tpu.memref_slice %arg4[%add3A_546, %dma_wait3A_553] : memref<425984x64xf32, #tpu.memory_space<hbm>> -> memref<128x64xf32, #tpu.memory_space<hbm>>
      %dma_wait3A_555 = tpu.memref_slice %arg8[%dma_wait3A_548] : memref<8x!tpu.dma_semaphore, #tpu.memory_space<semaphore_mem>> -> memref<1x!tpu.dma_semaphore, #tpu.memory_space<semaphore_mem>>
      %dma_wait3A_556 = tpu.memref_squeeze %dma_wait3A_555 : memref<1x!tpu.dma_semaphore, #tpu.memory_space<semaphore_mem>> -> memref<!tpu.dma_semaphore, #tpu.memory_space<semaphore_mem>>
      %dma_wait3A_557 = arith.constant 0 : i32
      %dma_wait3A_558 = tpu.memref_slice %arg4[%add3A_546, %dma_wait3A_557] : memref<425984x64xf32, #tpu.memory_space<hbm>> -> memref<128x64xf32, #tpu.memory_space<hbm>>
      %dma_wait3A_559 = arith.constant 0 : i32
      %dma_wait3A_560 = arith.constant 0 : i32
      %dma_wait3A_561 = tpu.memref_slice %arg6[%dma_wait3A_547, %dma_wait3A_559, %dma_wait3A_560] : memref<8x128x64xf32, #tpu.memory_space<vmem>> -> memref<1x128x64xf32, #tpu.memory_space<vmem>>
      %dma_wait3A_562 = tpu.memref_squeeze %dma_wait3A_561 : memref<1x128x64xf32, #tpu.memory_space<vmem>> -> memref<128x64xf32, #tpu.memory_space<vmem>>
      tpu.wait_dma2 semaphore(%dma_wait3A_556 : memref<!tpu.dma_semaphore, #tpu.memory_space<semaphore_mem>>) src(%dma_wait3A_562 : memref<128x64xf32, #tpu.memory_space<vmem>>) dst(%dma_wait3A_558 : memref<128x64xf32, #tpu.memory_space<hbm>>)
      %dma_start3A_563 = arith.constant 0 : i32
      %dma_start3A_564 = arith.constant 0 : i32
      %dma_start3A_565 = arith.constant 0 : i32
      %dma_start3A_566 = arith.constant 0 : i32
      %dma_start3A_567 = tpu.memref_slice %arg6[%dma_start3A_563, %dma_start3A_565, %dma_start3A_566] : memref<8x128x64xf32, #tpu.memory_space<vmem>> -> memref<1x128x64xf32, #tpu.memory_space<vmem>>
      %dma_start3A_568 = tpu.memref_squeeze %dma_start3A_567 : memref<1x128x64xf32, #tpu.memory_space<vmem>> -> memref<128x64xf32, #tpu.memory_space<vmem>>
      %dma_start3A_569 = arith.constant 0 : i32
      %dma_start3A_570 = tpu.memref_slice %arg5[%add3A_542, %dma_start3A_569] : memref<104x128xi32, #tpu.memory_space<vmem>> -> memref<1x128xi32, #tpu.memory_space<vmem>>
      %dma_start3A_571 = tpu.memref_squeeze %dma_start3A_570 : memref<1x128xi32, #tpu.memory_space<vmem>> -> memref<128xi32, #tpu.memory_space<vmem>>
      %dma_start3A_572 = arith.constant 0 : i32
      %dma_start3A_573 = arith.constant 0 : i32
      %dma_start3A_574 = tpu.memref_slice %arg3[%dma_start3A_572, %dma_start3A_573] : memref<1000000x64xf32, #tpu.memory_space<hbm>> -> memref<1000000x64xf32, #tpu.memory_space<hbm>>
      %dma_start3A_575 = tpu.memref_slice %arg7[%dma_start3A_564] : memref<8x!tpu.dma_semaphore, #tpu.memory_space<semaphore_mem>> -> memref<1x!tpu.dma_semaphore, #tpu.memory_space<semaphore_mem>>
      %dma_start3A_576 = tpu.memref_squeeze %dma_start3A_575 : memref<1x!tpu.dma_semaphore, #tpu.memory_space<semaphore_mem>> -> memref<!tpu.dma_semaphore, #tpu.memory_space<semaphore_mem>>
      tpu.enqueue_indirect_dma source(%dma_start3A_574 : memref<1000000x64xf32, #tpu.memory_space<hbm>>) target(%dma_start3A_568 : memref<128x64xf32, #tpu.memory_space<vmem>>) offsets(%dma_start3A_571 : memref<128xi32, #tpu.memory_space<vmem>>) semaphore(%dma_start3A_576 : memref<!tpu.dma_semaphore, #tpu.memory_space<semaphore_mem>>)
      %dma_wait3A_577 = arith.constant 4 : i32
      %dma_wait3A_578 = arith.constant 4 : i32
      %dma_wait3A_579 = arith.constant 0 : i32
      %dma_wait3A_580 = arith.constant 0 : i32
      %dma_wait3A_581 = tpu.memref_slice %arg6[%dma_wait3A_577, %dma_wait3A_579, %dma_wait3A_580] : memref<8x128x64xf32, #tpu.memory_space<vmem>> -> memref<1x128x64xf32, #tpu.memory_space<vmem>>
      %dma_wait3A_582 = tpu.memref_squeeze %dma_wait3A_581 : memref<1x128x64xf32, #tpu.memory_space<vmem>> -> memref<128x64xf32, #tpu.memory_space<vmem>>
      %dma_wait3A_583 = arith.constant 0 : i32
      %dma_wait3A_584 = tpu.memref_slice %arg5[%add3A_540, %dma_wait3A_583] : memref<104x128xi32, #tpu.memory_space<vmem>> -> memref<1x128xi32, #tpu.memory_space<vmem>>
      %dma_wait3A_585 = tpu.memref_squeeze %dma_wait3A_584 : memref<1x128xi32, #tpu.memory_space<vmem>> -> memref<128xi32, #tpu.memory_space<vmem>>
      %dma_wait3A_586 = arith.constant 0 : i32
      %dma_wait3A_587 = arith.constant 0 : i32
      %dma_wait3A_588 = tpu.memref_slice %arg3[%dma_wait3A_586, %dma_wait3A_587] : memref<1000000x64xf32, #tpu.memory_space<hbm>> -> memref<1000000x64xf32, #tpu.memory_space<hbm>>
      %dma_wait3A_589 = tpu.memref_slice %arg7[%dma_wait3A_578] : memref<8x!tpu.dma_semaphore, #tpu.memory_space<semaphore_mem>> -> memref<1x!tpu.dma_semaphore, #tpu.memory_space<semaphore_mem>>
      %dma_wait3A_590 = tpu.memref_squeeze %dma_wait3A_589 : memref<1x!tpu.dma_semaphore, #tpu.memory_space<semaphore_mem>> -> memref<!tpu.dma_semaphore, #tpu.memory_space<semaphore_mem>>
      tpu.wait_indirect_dma semaphore(%dma_wait3A_590 : memref<!tpu.dma_semaphore, #tpu.memory_space<semaphore_mem>>) src(%dma_wait3A_588 : memref<1000000x64xf32, #tpu.memory_space<hbm>>) dst(%dma_wait3A_582 : memref<128x64xf32, #tpu.memory_space<vmem>>)
      %mul3A_591 = arith.constant 128 : i32
      %mul3A_592 = arith.muli %add3A_540, %mul3A_591 : i32
      %add3A_593 = arith.addi %mul3A_2, %mul3A_592 : i32
      %dma_start3A_594 = arith.constant 4 : i32
      %dma_start3A_595 = arith.constant 4 : i32
      %dma_start3A_596 = arith.constant 0 : i32
      %dma_start3A_597 = arith.constant 0 : i32
      %dma_start3A_598 = tpu.memref_slice %arg6[%dma_start3A_594, %dma_start3A_596, %dma_start3A_597] : memref<8x128x64xf32, #tpu.memory_space<vmem>> -> memref<1x128x64xf32, #tpu.memory_space<vmem>>
      %dma_start3A_599 = tpu.memref_squeeze %dma_start3A_598 : memref<1x128x64xf32, #tpu.memory_space<vmem>> -> memref<128x64xf32, #tpu.memory_space<vmem>>
      %dma_start3A_600 = arith.constant 0 : i32
      %dma_start3A_601 = tpu.memref_slice %arg4[%add3A_593, %dma_start3A_600] : memref<425984x64xf32, #tpu.memory_space<hbm>> -> memref<128x64xf32, #tpu.memory_space<hbm>>
      %dma_start3A_602 = tpu.memref_slice %arg8[%dma_start3A_595] : memref<8x!tpu.dma_semaphore, #tpu.memory_space<semaphore_mem>> -> memref<1x!tpu.dma_semaphore, #tpu.memory_space<semaphore_mem>>
      %dma_start3A_603 = tpu.memref_squeeze %dma_start3A_602 : memref<1x!tpu.dma_semaphore, #tpu.memory_space<semaphore_mem>> -> memref<!tpu.dma_semaphore, #tpu.memory_space<semaphore_mem>>
      %dma_start3A_604 = arith.constant 0 : i32
      %dma_start3A_605 = tpu.memref_slice %arg4[%add3A_593, %dma_start3A_604] : memref<425984x64xf32, #tpu.memory_space<hbm>> -> memref<128x64xf32, #tpu.memory_space<hbm>>
      %dma_start3A_606 = arith.constant 0 : i32
      %dma_start3A_607 = arith.constant 0 : i32
      %dma_start3A_608 = tpu.memref_slice %arg6[%dma_start3A_594, %dma_start3A_606, %dma_start3A_607] : memref<8x128x64xf32, #tpu.memory_space<vmem>> -> memref<1x128x64xf32, #tpu.memory_space<vmem>>
      %dma_start3A_609 = tpu.memref_squeeze %dma_start3A_608 : memref<1x128x64xf32, #tpu.memory_space<vmem>> -> memref<128x64xf32, #tpu.memory_space<vmem>>
      tpu.enqueue_dma source(%dma_start3A_609 : memref<128x64xf32, #tpu.memory_space<vmem>>) target(%dma_start3A_605 : memref<128x64xf32, #tpu.memory_space<hbm>>) target_semaphore(%dma_start3A_603 : memref<!tpu.dma_semaphore, #tpu.memory_space<semaphore_mem>>)
      %mul3A_610 = arith.constant 8 : i32
      %mul3A_611 = arith.muli %scan3A_534, %mul3A_610 : i32
      %add3A_612 = arith.constant 4 : i32
      %add3A_613 = arith.addi %add3A_612, %mul3A_611 : i32
      %add3A_614 = arith.constant 1 : i32
      %add3A_615 = arith.addi %add3A_613, %add3A_614 : i32
      %add3A_616 = arith.constant 4 : i32
      %add3A_617 = arith.addi %add3A_615, %add3A_616 : i32
      %sub3A_618 = arith.constant 8 : i32
      %sub3A_619 = arith.subi %add3A_617, %sub3A_618 : i32
      %mul3A_620 = arith.constant 128 : i32
      %mul3A_621 = arith.muli %sub3A_619, %mul3A_620 : i32
      %add3A_622 = arith.addi %mul3A_2, %mul3A_621 : i32
      %dma_wait3A_623 = arith.constant 1 : i32
      %dma_wait3A_624 = arith.constant 1 : i32
      %dma_wait3A_625 = arith.constant 0 : i32
      %dma_wait3A_626 = arith.constant 0 : i32
      %dma_wait3A_627 = tpu.memref_slice %arg6[%dma_wait3A_623, %dma_wait3A_625, %dma_wait3A_626] : memref<8x128x64xf32, #tpu.memory_space<vmem>> -> memref<1x128x64xf32, #tpu.memory_space<vmem>>
      %dma_wait3A_628 = tpu.memref_squeeze %dma_wait3A_627 : memref<1x128x64xf32, #tpu.memory_space<vmem>> -> memref<128x64xf32, #tpu.memory_space<vmem>>
      %dma_wait3A_629 = arith.constant 0 : i32
      %dma_wait3A_630 = tpu.memref_slice %arg4[%add3A_622, %dma_wait3A_629] : memref<425984x64xf32, #tpu.memory_space<hbm>> -> memref<128x64xf32, #tpu.memory_space<hbm>>
      %dma_wait3A_631 = tpu.memref_slice %arg8[%dma_wait3A_624] : memref<8x!tpu.dma_semaphore, #tpu.memory_space<semaphore_mem>> -> memref<1x!tpu.dma_semaphore, #tpu.memory_space<semaphore_mem>>
      %dma_wait3A_632 = tpu.memref_squeeze %dma_wait3A_631 : memref<1x!tpu.dma_semaphore, #tpu.memory_space<semaphore_mem>> -> memref<!tpu.dma_semaphore, #tpu.memory_space<semaphore_mem>>
      %dma_wait3A_633 = arith.constant 0 : i32
      %dma_wait3A_634 = tpu.memref_slice %arg4[%add3A_622, %dma_wait3A_633] : memref<425984x64xf32, #tpu.memory_space<hbm>> -> memref<128x64xf32, #tpu.memory_space<hbm>>
      %dma_wait3A_635 = arith.constant 0 : i32
      %dma_wait3A_636 = arith.constant 0 : i32
      %dma_wait3A_637 = tpu.memref_slice %arg6[%dma_wait3A_623, %dma_wait3A_635, %dma_wait3A_636] : memref<8x128x64xf32, #tpu.memory_space<vmem>> -> memref<1x128x64xf32, #tpu.memory_space<vmem>>
      %dma_wait3A_638 = tpu.memref_squeeze %dma_wait3A_637 : memref<1x128x64xf32, #tpu.memory_space<vmem>> -> memref<128x64xf32, #tpu.memory_space<vmem>>
      tpu.wait_dma2 semaphore(%dma_wait3A_632 : memref<!tpu.dma_semaphore, #tpu.memory_space<semaphore_mem>>) src(%dma_wait3A_638 : memref<128x64xf32, #tpu.memory_space<vmem>>) dst(%dma_wait3A_634 : memref<128x64xf32, #tpu.memory_space<hbm>>)
      %dma_start3A_639 = arith.constant 1 : i32
      %dma_start3A_640 = arith.constant 1 : i32
      %dma_start3A_641 = arith.constant 0 : i32
      %dma_start3A_642 = arith.constant 0 : i32
      %dma_start3A_643 = tpu.memref_slice %arg6[%dma_start3A_639, %dma_start3A_641, %dma_start3A_642] : memref<8x128x64xf32, #tpu.memory_space<vmem>> -> memref<1x128x64xf32, #tpu.memory_space<vmem>>
      %dma_start3A_644 = tpu.memref_squeeze %dma_start3A_643 : memref<1x128x64xf32, #tpu.memory_space<vmem>> -> memref<128x64xf32, #tpu.memory_space<vmem>>
      %dma_start3A_645 = arith.constant 0 : i32
      %dma_start3A_646 = tpu.memref_slice %arg5[%add3A_617, %dma_start3A_645] : memref<104x128xi32, #tpu.memory_space<vmem>> -> memref<1x128xi32, #tpu.memory_space<vmem>>
      %dma_start3A_647 = tpu.memref_squeeze %dma_start3A_646 : memref<1x128xi32, #tpu.memory_space<vmem>> -> memref<128xi32, #tpu.memory_space<vmem>>
      %dma_start3A_648 = arith.constant 0 : i32
      %dma_start3A_649 = arith.constant 0 : i32
      %dma_start3A_650 = tpu.memref_slice %arg3[%dma_start3A_648, %dma_start3A_649] : memref<1000000x64xf32, #tpu.memory_space<hbm>> -> memref<1000000x64xf32, #tpu.memory_space<hbm>>
      %dma_start3A_651 = tpu.memref_slice %arg7[%dma_start3A_640] : memref<8x!tpu.dma_semaphore, #tpu.memory_space<semaphore_mem>> -> memref<1x!tpu.dma_semaphore, #tpu.memory_space<semaphore_mem>>
      %dma_start3A_652 = tpu.memref_squeeze %dma_start3A_651 : memref<1x!tpu.dma_semaphore, #tpu.memory_space<semaphore_mem>> -> memref<!tpu.dma_semaphore, #tpu.memory_space<semaphore_mem>>
      tpu.enqueue_indirect_dma source(%dma_start3A_650 : memref<1000000x64xf32, #tpu.memory_space<hbm>>) target(%dma_start3A_644 : memref<128x64xf32, #tpu.memory_space<vmem>>) offsets(%dma_start3A_647 : memref<128xi32, #tpu.memory_space<vmem>>) semaphore(%dma_start3A_652 : memref<!tpu.dma_semaphore, #tpu.memory_space<semaphore_mem>>)
      %dma_wait3A_653 = arith.constant 5 : i32
      %dma_wait3A_654 = arith.constant 5 : i32
      %dma_wait3A_655 = arith.constant 0 : i32
      %dma_wait3A_656 = arith.constant 0 : i32
      %dma_wait3A_657 = tpu.memref_slice %arg6[%dma_wait3A_653, %dma_wait3A_655, %dma_wait3A_656] : memref<8x128x64xf32, #tpu.memory_space<vmem>> -> memref<1x128x64xf32, #tpu.memory_space<vmem>>
      %dma_wait3A_658 = tpu.memref_squeeze %dma_wait3A_657 : memref<1x128x64xf32, #tpu.memory_space<vmem>> -> memref<128x64xf32, #tpu.memory_space<vmem>>
      %dma_wait3A_659 = arith.constant 0 : i32
      %dma_wait3A_660 = tpu.memref_slice %arg5[%add3A_615, %dma_wait3A_659] : memref<104x128xi32, #tpu.memory_space<vmem>> -> memref<1x128xi32, #tpu.memory_space<vmem>>
      %dma_wait3A_661 = tpu.memref_squeeze %dma_wait3A_660 : memref<1x128xi32, #tpu.memory_space<vmem>> -> memref<128xi32, #tpu.memory_space<vmem>>
      %dma_wait3A_662 = arith.constant 0 : i32
      %dma_wait3A_663 = arith.constant 0 : i32
      %dma_wait3A_664 = tpu.memref_slice %arg3[%dma_wait3A_662, %dma_wait3A_663] : memref<1000000x64xf32, #tpu.memory_space<hbm>> -> memref<1000000x64xf32, #tpu.memory_space<hbm>>
      %dma_wait3A_665 = tpu.memref_slice %arg7[%dma_wait3A_654] : memref<8x!tpu.dma_semaphore, #tpu.memory_space<semaphore_mem>> -> memref<1x!tpu.dma_semaphore, #tpu.memory_space<semaphore_mem>>
      %dma_wait3A_666 = tpu.memref_squeeze %dma_wait3A_665 : memref<1x!tpu.dma_semaphore, #tpu.memory_space<semaphore_mem>> -> memref<!tpu.dma_semaphore, #tpu.memory_space<semaphore_mem>>
      tpu.wait_indirect_dma semaphore(%dma_wait3A_666 : memref<!tpu.dma_semaphore, #tpu.memory_space<semaphore_mem>>) src(%dma_wait3A_664 : memref<1000000x64xf32, #tpu.memory_space<hbm>>) dst(%dma_wait3A_658 : memref<128x64xf32, #tpu.memory_space<vmem>>)
      %mul3A_667 = arith.constant 128 : i32
      %mul3A_668 = arith.muli %add3A_615, %mul3A_667 : i32
      %add3A_669 = arith.addi %mul3A_2, %mul3A_668 : i32
      %dma_start3A_670 = arith.constant 5 : i32
      %dma_start3A_671 = arith.constant 5 : i32
      %dma_start3A_672 = arith.constant 0 : i32
      %dma_start3A_673 = arith.constant 0 : i32
      %dma_start3A_674 = tpu.memref_slice %arg6[%dma_start3A_670, %dma_start3A_672, %dma_start3A_673] : memref<8x128x64xf32, #tpu.memory_space<vmem>> -> memref<1x128x64xf32, #tpu.memory_space<vmem>>
      %dma_start3A_675 = tpu.memref_squeeze %dma_start3A_674 : memref<1x128x64xf32, #tpu.memory_space<vmem>> -> memref<128x64xf32, #tpu.memory_space<vmem>>
      %dma_start3A_676 = arith.constant 0 : i32
      %dma_start3A_677 = tpu.memref_slice %arg4[%add3A_669, %dma_start3A_676] : memref<425984x64xf32, #tpu.memory_space<hbm>> -> memref<128x64xf32, #tpu.memory_space<hbm>>
      %dma_start3A_678 = tpu.memref_slice %arg8[%dma_start3A_671] : memref<8x!tpu.dma_semaphore, #tpu.memory_space<semaphore_mem>> -> memref<1x!tpu.dma_semaphore, #tpu.memory_space<semaphore_mem>>
      %dma_start3A_679 = tpu.memref_squeeze %dma_start3A_678 : memref<1x!tpu.dma_semaphore, #tpu.memory_space<semaphore_mem>> -> memref<!tpu.dma_semaphore, #tpu.memory_space<semaphore_mem>>
      %dma_start3A_680 = arith.constant 0 : i32
      %dma_start3A_681 = tpu.memref_slice %arg4[%add3A_669, %dma_start3A_680] : memref<425984x64xf32, #tpu.memory_space<hbm>> -> memref<128x64xf32, #tpu.memory_space<hbm>>
      %dma_start3A_682 = arith.constant 0 : i32
      %dma_start3A_683 = arith.constant 0 : i32
      %dma_start3A_684 = tpu.memref_slice %arg6[%dma_start3A_670, %dma_start3A_682, %dma_start3A_683] : memref<8x128x64xf32, #tpu.memory_space<vmem>> -> memref<1x128x64xf32, #tpu.memory_space<vmem>>
      %dma_start3A_685 = tpu.memref_squeeze %dma_start3A_684 : memref<1x128x64xf32, #tpu.memory_space<vmem>> -> memref<128x64xf32, #tpu.memory_space<vmem>>
      tpu.enqueue_dma source(%dma_start3A_685 : memref<128x64xf32, #tpu.memory_space<vmem>>) target(%dma_start3A_681 : memref<128x64xf32, #tpu.memory_space<hbm>>) target_semaphore(%dma_start3A_679 : memref<!tpu.dma_semaphore, #tpu.memory_space<semaphore_mem>>)
      %mul3A_686 = arith.constant 8 : i32
      %mul3A_687 = arith.muli %scan3A_534, %mul3A_686 : i32
      %add3A_688 = arith.constant 4 : i32
      %add3A_689 = arith.addi %add3A_688, %mul3A_687 : i32
      %add3A_690 = arith.constant 2 : i32
      %add3A_691 = arith.addi %add3A_689, %add3A_690 : i32
      %add3A_692 = arith.constant 4 : i32
      %add3A_693 = arith.addi %add3A_691, %add3A_692 : i32
      %sub3A_694 = arith.constant 8 : i32
      %sub3A_695 = arith.subi %add3A_693, %sub3A_694 : i32
      %mul3A_696 = arith.constant 128 : i32
      %mul3A_697 = arith.muli %sub3A_695, %mul3A_696 : i32
      %add3A_698 = arith.addi %mul3A_2, %mul3A_697 : i32
      %dma_wait3A_699 = arith.constant 2 : i32
      %dma_wait3A_700 = arith.constant 2 : i32
      %dma_wait3A_701 = arith.constant 0 : i32
      %dma_wait3A_702 = arith.constant 0 : i32
      %dma_wait3A_703 = tpu.memref_slice %arg6[%dma_wait3A_699, %dma_wait3A_701, %dma_wait3A_702] : memref<8x128x64xf32, #tpu.memory_space<vmem>> -> memref<1x128x64xf32, #tpu.memory_space<vmem>>
      %dma_wait3A_704 = tpu.memref_squeeze %dma_wait3A_703 : memref<1x128x64xf32, #tpu.memory_space<vmem>> -> memref<128x64xf32, #tpu.memory_space<vmem>>
      %dma_wait3A_705 = arith.constant 0 : i32
      %dma_wait3A_706 = tpu.memref_slice %arg4[%add3A_698, %dma_wait3A_705] : memref<425984x64xf32, #tpu.memory_space<hbm>> -> memref<128x64xf32, #tpu.memory_space<hbm>>
      %dma_wait3A_707 = tpu.memref_slice %arg8[%dma_wait3A_700] : memref<8x!tpu.dma_semaphore, #tpu.memory_space<semaphore_mem>> -> memref<1x!tpu.dma_semaphore, #tpu.memory_space<semaphore_mem>>
      %dma_wait3A_708 = tpu.memref_squeeze %dma_wait3A_707 : memref<1x!tpu.dma_semaphore, #tpu.memory_space<semaphore_mem>> -> memref<!tpu.dma_semaphore, #tpu.memory_space<semaphore_mem>>
      %dma_wait3A_709 = arith.constant 0 : i32
      %dma_wait3A_710 = tpu.memref_slice %arg4[%add3A_698, %dma_wait3A_709] : memref<425984x64xf32, #tpu.memory_space<hbm>> -> memref<128x64xf32, #tpu.memory_space<hbm>>
      %dma_wait3A_711 = arith.constant 0 : i32
      %dma_wait3A_712 = arith.constant 0 : i32
      %dma_wait3A_713 = tpu.memref_slice %arg6[%dma_wait3A_699, %dma_wait3A_711, %dma_wait3A_712] : memref<8x128x64xf32, #tpu.memory_space<vmem>> -> memref<1x128x64xf32, #tpu.memory_space<vmem>>
      %dma_wait3A_714 = tpu.memref_squeeze %dma_wait3A_713 : memref<1x128x64xf32, #tpu.memory_space<vmem>> -> memref<128x64xf32, #tpu.memory_space<vmem>>
      tpu.wait_dma2 semaphore(%dma_wait3A_708 : memref<!tpu.dma_semaphore, #tpu.memory_space<semaphore_mem>>) src(%dma_wait3A_714 : memref<128x64xf32, #tpu.memory_space<vmem>>) dst(%dma_wait3A_710 : memref<128x64xf32, #tpu.memory_space<hbm>>)
      %dma_start3A_715 = arith.constant 2 : i32
      %dma_start3A_716 = arith.constant 2 : i32
      %dma_start3A_717 = arith.constant 0 : i32
      %dma_start3A_718 = arith.constant 0 : i32
      %dma_start3A_719 = tpu.memref_slice %arg6[%dma_start3A_715, %dma_start3A_717, %dma_start3A_718] : memref<8x128x64xf32, #tpu.memory_space<vmem>> -> memref<1x128x64xf32, #tpu.memory_space<vmem>>
      %dma_start3A_720 = tpu.memref_squeeze %dma_start3A_719 : memref<1x128x64xf32, #tpu.memory_space<vmem>> -> memref<128x64xf32, #tpu.memory_space<vmem>>
      %dma_start3A_721 = arith.constant 0 : i32
      %dma_start3A_722 = tpu.memref_slice %arg5[%add3A_693, %dma_start3A_721] : memref<104x128xi32, #tpu.memory_space<vmem>> -> memref<1x128xi32, #tpu.memory_space<vmem>>
      %dma_start3A_723 = tpu.memref_squeeze %dma_start3A_722 : memref<1x128xi32, #tpu.memory_space<vmem>> -> memref<128xi32, #tpu.memory_space<vmem>>
      %dma_start3A_724 = arith.constant 0 : i32
      %dma_start3A_725 = arith.constant 0 : i32
      %dma_start3A_726 = tpu.memref_slice %arg3[%dma_start3A_724, %dma_start3A_725] : memref<1000000x64xf32, #tpu.memory_space<hbm>> -> memref<1000000x64xf32, #tpu.memory_space<hbm>>
      %dma_start3A_727 = tpu.memref_slice %arg7[%dma_start3A_716] : memref<8x!tpu.dma_semaphore, #tpu.memory_space<semaphore_mem>> -> memref<1x!tpu.dma_semaphore, #tpu.memory_space<semaphore_mem>>
      %dma_start3A_728 = tpu.memref_squeeze %dma_start3A_727 : memref<1x!tpu.dma_semaphore, #tpu.memory_space<semaphore_mem>> -> memref<!tpu.dma_semaphore, #tpu.memory_space<semaphore_mem>>
      tpu.enqueue_indirect_dma source(%dma_start3A_726 : memref<1000000x64xf32, #tpu.memory_space<hbm>>) target(%dma_start3A_720 : memref<128x64xf32, #tpu.memory_space<vmem>>) offsets(%dma_start3A_723 : memref<128xi32, #tpu.memory_space<vmem>>) semaphore(%dma_start3A_728 : memref<!tpu.dma_semaphore, #tpu.memory_space<semaphore_mem>>)
      %dma_wait3A_729 = arith.constant 6 : i32
      %dma_wait3A_730 = arith.constant 6 : i32
      %dma_wait3A_731 = arith.constant 0 : i32
      %dma_wait3A_732 = arith.constant 0 : i32
      %dma_wait3A_733 = tpu.memref_slice %arg6[%dma_wait3A_729, %dma_wait3A_731, %dma_wait3A_732] : memref<8x128x64xf32, #tpu.memory_space<vmem>> -> memref<1x128x64xf32, #tpu.memory_space<vmem>>
      %dma_wait3A_734 = tpu.memref_squeeze %dma_wait3A_733 : memref<1x128x64xf32, #tpu.memory_space<vmem>> -> memref<128x64xf32, #tpu.memory_space<vmem>>
      %dma_wait3A_735 = arith.constant 0 : i32
      %dma_wait3A_736 = tpu.memref_slice %arg5[%add3A_691, %dma_wait3A_735] : memref<104x128xi32, #tpu.memory_space<vmem>> -> memref<1x128xi32, #tpu.memory_space<vmem>>
      %dma_wait3A_737 = tpu.memref_squeeze %dma_wait3A_736 : memref<1x128xi32, #tpu.memory_space<vmem>> -> memref<128xi32, #tpu.memory_space<vmem>>
      %dma_wait3A_738 = arith.constant 0 : i32
      %dma_wait3A_739 = arith.constant 0 : i32
      %dma_wait3A_740 = tpu.memref_slice %arg3[%dma_wait3A_738, %dma_wait3A_739] : memref<1000000x64xf32, #tpu.memory_space<hbm>> -> memref<1000000x64xf32, #tpu.memory_space<hbm>>
      %dma_wait3A_741 = tpu.memref_slice %arg7[%dma_wait3A_730] : memref<8x!tpu.dma_semaphore, #tpu.memory_space<semaphore_mem>> -> memref<1x!tpu.dma_semaphore, #tpu.memory_space<semaphore_mem>>
      %dma_wait3A_742 = tpu.memref_squeeze %dma_wait3A_741 : memref<1x!tpu.dma_semaphore, #tpu.memory_space<semaphore_mem>> -> memref<!tpu.dma_semaphore, #tpu.memory_space<semaphore_mem>>
      tpu.wait_indirect_dma semaphore(%dma_wait3A_742 : memref<!tpu.dma_semaphore, #tpu.memory_space<semaphore_mem>>) src(%dma_wait3A_740 : memref<1000000x64xf32, #tpu.memory_space<hbm>>) dst(%dma_wait3A_734 : memref<128x64xf32, #tpu.memory_space<vmem>>)
      %mul3A_743 = arith.constant 128 : i32
      %mul3A_744 = arith.muli %add3A_691, %mul3A_743 : i32
      %add3A_745 = arith.addi %mul3A_2, %mul3A_744 : i32
      %dma_start3A_746 = arith.constant 6 : i32
      %dma_start3A_747 = arith.constant 6 : i32
      %dma_start3A_748 = arith.constant 0 : i32
      %dma_start3A_749 = arith.constant 0 : i32
      %dma_start3A_750 = tpu.memref_slice %arg6[%dma_start3A_746, %dma_start3A_748, %dma_start3A_749] : memref<8x128x64xf32, #tpu.memory_space<vmem>> -> memref<1x128x64xf32, #tpu.memory_space<vmem>>
      %dma_start3A_751 = tpu.memref_squeeze %dma_start3A_750 : memref<1x128x64xf32, #tpu.memory_space<vmem>> -> memref<128x64xf32, #tpu.memory_space<vmem>>
      %dma_start3A_752 = arith.constant 0 : i32
      %dma_start3A_753 = tpu.memref_slice %arg4[%add3A_745, %dma_start3A_752] : memref<425984x64xf32, #tpu.memory_space<hbm>> -> memref<128x64xf32, #tpu.memory_space<hbm>>
      %dma_start3A_754 = tpu.memref_slice %arg8[%dma_start3A_747] : memref<8x!tpu.dma_semaphore, #tpu.memory_space<semaphore_mem>> -> memref<1x!tpu.dma_semaphore, #tpu.memory_space<semaphore_mem>>
      %dma_start3A_755 = tpu.memref_squeeze %dma_start3A_754 : memref<1x!tpu.dma_semaphore, #tpu.memory_space<semaphore_mem>> -> memref<!tpu.dma_semaphore, #tpu.memory_space<semaphore_mem>>
      %dma_start3A_756 = arith.constant 0 : i32
      %dma_start3A_757 = tpu.memref_slice %arg4[%add3A_745, %dma_start3A_756] : memref<425984x64xf32, #tpu.memory_space<hbm>> -> memref<128x64xf32, #tpu.memory_space<hbm>>
      %dma_start3A_758 = arith.constant 0 : i32
      %dma_start3A_759 = arith.constant 0 : i32
      %dma_start3A_760 = tpu.memref_slice %arg6[%dma_start3A_746, %dma_start3A_758, %dma_start3A_759] : memref<8x128x64xf32, #tpu.memory_space<vmem>> -> memref<1x128x64xf32, #tpu.memory_space<vmem>>
      %dma_start3A_761 = tpu.memref_squeeze %dma_start3A_760 : memref<1x128x64xf32, #tpu.memory_space<vmem>> -> memref<128x64xf32, #tpu.memory_space<vmem>>
      tpu.enqueue_dma source(%dma_start3A_761 : memref<128x64xf32, #tpu.memory_space<vmem>>) target(%dma_start3A_757 : memref<128x64xf32, #tpu.memory_space<hbm>>) target_semaphore(%dma_start3A_755 : memref<!tpu.dma_semaphore, #tpu.memory_space<semaphore_mem>>)
      %mul3A_762 = arith.constant 8 : i32
      %mul3A_763 = arith.muli %scan3A_534, %mul3A_762 : i32
      %add3A_764 = arith.constant 4 : i32
      %add3A_765 = arith.addi %add3A_764, %mul3A_763 : i32
      %add3A_766 = arith.constant 3 : i32
      %add3A_767 = arith.addi %add3A_765, %add3A_766 : i32
      %add3A_768 = arith.constant 4 : i32
      %add3A_769 = arith.addi %add3A_767, %add3A_768 : i32
      %sub3A_770 = arith.constant 8 : i32
      %sub3A_771 = arith.subi %add3A_769, %sub3A_770 : i32
      %mul3A_772 = arith.constant 128 : i32
      %mul3A_773 = arith.muli %sub3A_771, %mul3A_772 : i32
      %add3A_774 = arith.addi %mul3A_2, %mul3A_773 : i32
      %dma_wait3A_775 = arith.constant 3 : i32
      %dma_wait3A_776 = arith.constant 3 : i32
      %dma_wait3A_777 = arith.constant 0 : i32
      %dma_wait3A_778 = arith.constant 0 : i32
      %dma_wait3A_779 = tpu.memref_slice %arg6[%dma_wait3A_775, %dma_wait3A_777, %dma_wait3A_778] : memref<8x128x64xf32, #tpu.memory_space<vmem>> -> memref<1x128x64xf32, #tpu.memory_space<vmem>>
      %dma_wait3A_780 = tpu.memref_squeeze %dma_wait3A_779 : memref<1x128x64xf32, #tpu.memory_space<vmem>> -> memref<128x64xf32, #tpu.memory_space<vmem>>
      %dma_wait3A_781 = arith.constant 0 : i32
      %dma_wait3A_782 = tpu.memref_slice %arg4[%add3A_774, %dma_wait3A_781] : memref<425984x64xf32, #tpu.memory_space<hbm>> -> memref<128x64xf32, #tpu.memory_space<hbm>>
      %dma_wait3A_783 = tpu.memref_slice %arg8[%dma_wait3A_776] : memref<8x!tpu.dma_semaphore, #tpu.memory_space<semaphore_mem>> -> memref<1x!tpu.dma_semaphore, #tpu.memory_space<semaphore_mem>>
      %dma_wait3A_784 = tpu.memref_squeeze %dma_wait3A_783 : memref<1x!tpu.dma_semaphore, #tpu.memory_space<semaphore_mem>> -> memref<!tpu.dma_semaphore, #tpu.memory_space<semaphore_mem>>
      %dma_wait3A_785 = arith.constant 0 : i32
      %dma_wait3A_786 = tpu.memref_slice %arg4[%add3A_774, %dma_wait3A_785] : memref<425984x64xf32, #tpu.memory_space<hbm>> -> memref<128x64xf32, #tpu.memory_space<hbm>>
      %dma_wait3A_787 = arith.constant 0 : i32
      %dma_wait3A_788 = arith.constant 0 : i32
      %dma_wait3A_789 = tpu.memref_slice %arg6[%dma_wait3A_775, %dma_wait3A_787, %dma_wait3A_788] : memref<8x128x64xf32, #tpu.memory_space<vmem>> -> memref<1x128x64xf32, #tpu.memory_space<vmem>>
      %dma_wait3A_790 = tpu.memref_squeeze %dma_wait3A_789 : memref<1x128x64xf32, #tpu.memory_space<vmem>> -> memref<128x64xf32, #tpu.memory_space<vmem>>
      tpu.wait_dma2 semaphore(%dma_wait3A_784 : memref<!tpu.dma_semaphore, #tpu.memory_space<semaphore_mem>>) src(%dma_wait3A_790 : memref<128x64xf32, #tpu.memory_space<vmem>>) dst(%dma_wait3A_786 : memref<128x64xf32, #tpu.memory_space<hbm>>)
      %dma_start3A_791 = arith.constant 3 : i32
      %dma_start3A_792 = arith.constant 3 : i32
      %dma_start3A_793 = arith.constant 0 : i32
      %dma_start3A_794 = arith.constant 0 : i32
      %dma_start3A_795 = tpu.memref_slice %arg6[%dma_start3A_791, %dma_start3A_793, %dma_start3A_794] : memref<8x128x64xf32, #tpu.memory_space<vmem>> -> memref<1x128x64xf32, #tpu.memory_space<vmem>>
      %dma_start3A_796 = tpu.memref_squeeze %dma_start3A_795 : memref<1x128x64xf32, #tpu.memory_space<vmem>> -> memref<128x64xf32, #tpu.memory_space<vmem>>
      %dma_start3A_797 = arith.constant 0 : i32
      %dma_start3A_798 = tpu.memref_slice %arg5[%add3A_769, %dma_start3A_797] : memref<104x128xi32, #tpu.memory_space<vmem>> -> memref<1x128xi32, #tpu.memory_space<vmem>>
      %dma_start3A_799 = tpu.memref_squeeze %dma_start3A_798 : memref<1x128xi32, #tpu.memory_space<vmem>> -> memref<128xi32, #tpu.memory_space<vmem>>
      %dma_start3A_800 = arith.constant 0 : i32
      %dma_start3A_801 = arith.constant 0 : i32
      %dma_start3A_802 = tpu.memref_slice %arg3[%dma_start3A_800, %dma_start3A_801] : memref<1000000x64xf32, #tpu.memory_space<hbm>> -> memref<1000000x64xf32, #tpu.memory_space<hbm>>
      %dma_start3A_803 = tpu.memref_slice %arg7[%dma_start3A_792] : memref<8x!tpu.dma_semaphore, #tpu.memory_space<semaphore_mem>> -> memref<1x!tpu.dma_semaphore, #tpu.memory_space<semaphore_mem>>
      %dma_start3A_804 = tpu.memref_squeeze %dma_start3A_803 : memref<1x!tpu.dma_semaphore, #tpu.memory_space<semaphore_mem>> -> memref<!tpu.dma_semaphore, #tpu.memory_space<semaphore_mem>>
      tpu.enqueue_indirect_dma source(%dma_start3A_802 : memref<1000000x64xf32, #tpu.memory_space<hbm>>) target(%dma_start3A_796 : memref<128x64xf32, #tpu.memory_space<vmem>>) offsets(%dma_start3A_799 : memref<128xi32, #tpu.memory_space<vmem>>) semaphore(%dma_start3A_804 : memref<!tpu.dma_semaphore, #tpu.memory_space<semaphore_mem>>)
      %dma_wait3A_805 = arith.constant 7 : i32
      %dma_wait3A_806 = arith.constant 7 : i32
      %dma_wait3A_807 = arith.constant 0 : i32
      %dma_wait3A_808 = arith.constant 0 : i32
      %dma_wait3A_809 = tpu.memref_slice %arg6[%dma_wait3A_805, %dma_wait3A_807, %dma_wait3A_808] : memref<8x128x64xf32, #tpu.memory_space<vmem>> -> memref<1x128x64xf32, #tpu.memory_space<vmem>>
      %dma_wait3A_810 = tpu.memref_squeeze %dma_wait3A_809 : memref<1x128x64xf32, #tpu.memory_space<vmem>> -> memref<128x64xf32, #tpu.memory_space<vmem>>
      %dma_wait3A_811 = arith.constant 0 : i32
      %dma_wait3A_812 = tpu.memref_slice %arg5[%add3A_767, %dma_wait3A_811] : memref<104x128xi32, #tpu.memory_space<vmem>> -> memref<1x128xi32, #tpu.memory_space<vmem>>
      %dma_wait3A_813 = tpu.memref_squeeze %dma_wait3A_812 : memref<1x128xi32, #tpu.memory_space<vmem>> -> memref<128xi32, #tpu.memory_space<vmem>>
      %dma_wait3A_814 = arith.constant 0 : i32
      %dma_wait3A_815 = arith.constant 0 : i32
      %dma_wait3A_816 = tpu.memref_slice %arg3[%dma_wait3A_814, %dma_wait3A_815] : memref<1000000x64xf32, #tpu.memory_space<hbm>> -> memref<1000000x64xf32, #tpu.memory_space<hbm>>
      %dma_wait3A_817 = tpu.memref_slice %arg7[%dma_wait3A_806] : memref<8x!tpu.dma_semaphore, #tpu.memory_space<semaphore_mem>> -> memref<1x!tpu.dma_semaphore, #tpu.memory_space<semaphore_mem>>
      %dma_wait3A_818 = tpu.memref_squeeze %dma_wait3A_817 : memref<1x!tpu.dma_semaphore, #tpu.memory_space<semaphore_mem>> -> memref<!tpu.dma_semaphore, #tpu.memory_space<semaphore_mem>>
      tpu.wait_indirect_dma semaphore(%dma_wait3A_818 : memref<!tpu.dma_semaphore, #tpu.memory_space<semaphore_mem>>) src(%dma_wait3A_816 : memref<1000000x64xf32, #tpu.memory_space<hbm>>) dst(%dma_wait3A_810 : memref<128x64xf32, #tpu.memory_space<vmem>>)
      %mul3A_819 = arith.constant 128 : i32
      %mul3A_820 = arith.muli %add3A_767, %mul3A_819 : i32
      %add3A_821 = arith.addi %mul3A_2, %mul3A_820 : i32
      %dma_start3A_822 = arith.constant 7 : i32
      %dma_start3A_823 = arith.constant 7 : i32
      %dma_start3A_824 = arith.constant 0 : i32
      %dma_start3A_825 = arith.constant 0 : i32
      %dma_start3A_826 = tpu.memref_slice %arg6[%dma_start3A_822, %dma_start3A_824, %dma_start3A_825] : memref<8x128x64xf32, #tpu.memory_space<vmem>> -> memref<1x128x64xf32, #tpu.memory_space<vmem>>
      %dma_start3A_827 = tpu.memref_squeeze %dma_start3A_826 : memref<1x128x64xf32, #tpu.memory_space<vmem>> -> memref<128x64xf32, #tpu.memory_space<vmem>>
      %dma_start3A_828 = arith.constant 0 : i32
      %dma_start3A_829 = tpu.memref_slice %arg4[%add3A_821, %dma_start3A_828] : memref<425984x64xf32, #tpu.memory_space<hbm>> -> memref<128x64xf32, #tpu.memory_space<hbm>>
      %dma_start3A_830 = tpu.memref_slice %arg8[%dma_start3A_823] : memref<8x!tpu.dma_semaphore, #tpu.memory_space<semaphore_mem>> -> memref<1x!tpu.dma_semaphore, #tpu.memory_space<semaphore_mem>>
      %dma_start3A_831 = tpu.memref_squeeze %dma_start3A_830 : memref<1x!tpu.dma_semaphore, #tpu.memory_space<semaphore_mem>> -> memref<!tpu.dma_semaphore, #tpu.memory_space<semaphore_mem>>
      %dma_start3A_832 = arith.constant 0 : i32
      %dma_start3A_833 = tpu.memref_slice %arg4[%add3A_821, %dma_start3A_832] : memref<425984x64xf32, #tpu.memory_space<hbm>> -> memref<128x64xf32, #tpu.memory_space<hbm>>
      %dma_start3A_834 = arith.constant 0 : i32
      %dma_start3A_835 = arith.constant 0 : i32
      %dma_start3A_836 = tpu.memref_slice %arg6[%dma_start3A_822, %dma_start3A_834, %dma_start3A_835] : memref<8x128x64xf32, #tpu.memory_space<vmem>> -> memref<1x128x64xf32, #tpu.memory_space<vmem>>
      %dma_start3A_837 = tpu.memref_squeeze %dma_start3A_836 : memref<1x128x64xf32, #tpu.memory_space<vmem>> -> memref<128x64xf32, #tpu.memory_space<vmem>>
      tpu.enqueue_dma source(%dma_start3A_837 : memref<128x64xf32, #tpu.memory_space<vmem>>) target(%dma_start3A_833 : memref<128x64xf32, #tpu.memory_space<hbm>>) target_semaphore(%dma_start3A_831 : memref<!tpu.dma_semaphore, #tpu.memory_space<semaphore_mem>>)
      %mul3A_838 = arith.constant 8 : i32
      %mul3A_839 = arith.muli %scan3A_534, %mul3A_838 : i32
      %add3A_840 = arith.constant 4 : i32
      %add3A_841 = arith.addi %add3A_840, %mul3A_839 : i32
      %add3A_842 = arith.constant 4 : i32
      %add3A_843 = arith.addi %add3A_841, %add3A_842 : i32
      %add3A_844 = arith.constant 4 : i32
      %add3A_845 = arith.addi %add3A_843, %add3A_844 : i32
      %sub3A_846 = arith.constant 8 : i32
      %sub3A_847 = arith.subi %add3A_845, %sub3A_846 : i32
      %mul3A_848 = arith.constant 128 : i32
      %mul3A_849 = arith.muli %sub3A_847, %mul3A_848 : i32
      %add3A_850 = arith.addi %mul3A_2, %mul3A_849 : i32
      %dma_wait3A_851 = arith.constant 4 : i32
      %dma_wait3A_852 = arith.constant 4 : i32
      %dma_wait3A_853 = arith.constant 0 : i32
      %dma_wait3A_854 = arith.constant 0 : i32
      %dma_wait3A_855 = tpu.memref_slice %arg6[%dma_wait3A_851, %dma_wait3A_853, %dma_wait3A_854] : memref<8x128x64xf32, #tpu.memory_space<vmem>> -> memref<1x128x64xf32, #tpu.memory_space<vmem>>
      %dma_wait3A_856 = tpu.memref_squeeze %dma_wait3A_855 : memref<1x128x64xf32, #tpu.memory_space<vmem>> -> memref<128x64xf32, #tpu.memory_space<vmem>>
      %dma_wait3A_857 = arith.constant 0 : i32
      %dma_wait3A_858 = tpu.memref_slice %arg4[%add3A_850, %dma_wait3A_857] : memref<425984x64xf32, #tpu.memory_space<hbm>> -> memref<128x64xf32, #tpu.memory_space<hbm>>
      %dma_wait3A_859 = tpu.memref_slice %arg8[%dma_wait3A_852] : memref<8x!tpu.dma_semaphore, #tpu.memory_space<semaphore_mem>> -> memref<1x!tpu.dma_semaphore, #tpu.memory_space<semaphore_mem>>
      %dma_wait3A_860 = tpu.memref_squeeze %dma_wait3A_859 : memref<1x!tpu.dma_semaphore, #tpu.memory_space<semaphore_mem>> -> memref<!tpu.dma_semaphore, #tpu.memory_space<semaphore_mem>>
      %dma_wait3A_861 = arith.constant 0 : i32
      %dma_wait3A_862 = tpu.memref_slice %arg4[%add3A_850, %dma_wait3A_861] : memref<425984x64xf32, #tpu.memory_space<hbm>> -> memref<128x64xf32, #tpu.memory_space<hbm>>
      %dma_wait3A_863 = arith.constant 0 : i32
      %dma_wait3A_864 = arith.constant 0 : i32
      %dma_wait3A_865 = tpu.memref_slice %arg6[%dma_wait3A_851, %dma_wait3A_863, %dma_wait3A_864] : memref<8x128x64xf32, #tpu.memory_space<vmem>> -> memref<1x128x64xf32, #tpu.memory_space<vmem>>
      %dma_wait3A_866 = tpu.memref_squeeze %dma_wait3A_865 : memref<1x128x64xf32, #tpu.memory_space<vmem>> -> memref<128x64xf32, #tpu.memory_space<vmem>>
      tpu.wait_dma2 semaphore(%dma_wait3A_860 : memref<!tpu.dma_semaphore, #tpu.memory_space<semaphore_mem>>) src(%dma_wait3A_866 : memref<128x64xf32, #tpu.memory_space<vmem>>) dst(%dma_wait3A_862 : memref<128x64xf32, #tpu.memory_space<hbm>>)
      %dma_start3A_867 = arith.constant 4 : i32
      %dma_start3A_868 = arith.constant 4 : i32
      %dma_start3A_869 = arith.constant 0 : i32
      %dma_start3A_870 = arith.constant 0 : i32
      %dma_start3A_871 = tpu.memref_slice %arg6[%dma_start3A_867, %dma_start3A_869, %dma_start3A_870] : memref<8x128x64xf32, #tpu.memory_space<vmem>> -> memref<1x128x64xf32, #tpu.memory_space<vmem>>
      %dma_start3A_872 = tpu.memref_squeeze %dma_start3A_871 : memref<1x128x64xf32, #tpu.memory_space<vmem>> -> memref<128x64xf32, #tpu.memory_space<vmem>>
      %dma_start3A_873 = arith.constant 0 : i32
      %dma_start3A_874 = tpu.memref_slice %arg5[%add3A_845, %dma_start3A_873] : memref<104x128xi32, #tpu.memory_space<vmem>> -> memref<1x128xi32, #tpu.memory_space<vmem>>
      %dma_start3A_875 = tpu.memref_squeeze %dma_start3A_874 : memref<1x128xi32, #tpu.memory_space<vmem>> -> memref<128xi32, #tpu.memory_space<vmem>>
      %dma_start3A_876 = arith.constant 0 : i32
      %dma_start3A_877 = arith.constant 0 : i32
      %dma_start3A_878 = tpu.memref_slice %arg3[%dma_start3A_876, %dma_start3A_877] : memref<1000000x64xf32, #tpu.memory_space<hbm>> -> memref<1000000x64xf32, #tpu.memory_space<hbm>>
      %dma_start3A_879 = tpu.memref_slice %arg7[%dma_start3A_868] : memref<8x!tpu.dma_semaphore, #tpu.memory_space<semaphore_mem>> -> memref<1x!tpu.dma_semaphore, #tpu.memory_space<semaphore_mem>>
      %dma_start3A_880 = tpu.memref_squeeze %dma_start3A_879 : memref<1x!tpu.dma_semaphore, #tpu.memory_space<semaphore_mem>> -> memref<!tpu.dma_semaphore, #tpu.memory_space<semaphore_mem>>
      tpu.enqueue_indirect_dma source(%dma_start3A_878 : memref<1000000x64xf32, #tpu.memory_space<hbm>>) target(%dma_start3A_872 : memref<128x64xf32, #tpu.memory_space<vmem>>) offsets(%dma_start3A_875 : memref<128xi32, #tpu.memory_space<vmem>>) semaphore(%dma_start3A_880 : memref<!tpu.dma_semaphore, #tpu.memory_space<semaphore_mem>>)
      %dma_wait3A_881 = arith.constant 0 : i32
      %dma_wait3A_882 = arith.constant 0 : i32
      %dma_wait3A_883 = arith.constant 0 : i32
      %dma_wait3A_884 = arith.constant 0 : i32
      %dma_wait3A_885 = tpu.memref_slice %arg6[%dma_wait3A_881, %dma_wait3A_883, %dma_wait3A_884] : memref<8x128x64xf32, #tpu.memory_space<vmem>> -> memref<1x128x64xf32, #tpu.memory_space<vmem>>
      %dma_wait3A_886 = tpu.memref_squeeze %dma_wait3A_885 : memref<1x128x64xf32, #tpu.memory_space<vmem>> -> memref<128x64xf32, #tpu.memory_space<vmem>>
      %dma_wait3A_887 = arith.constant 0 : i32
      %dma_wait3A_888 = tpu.memref_slice %arg5[%add3A_843, %dma_wait3A_887] : memref<104x128xi32, #tpu.memory_space<vmem>> -> memref<1x128xi32, #tpu.memory_space<vmem>>
      %dma_wait3A_889 = tpu.memref_squeeze %dma_wait3A_888 : memref<1x128xi32, #tpu.memory_space<vmem>> -> memref<128xi32, #tpu.memory_space<vmem>>
      %dma_wait3A_890 = arith.constant 0 : i32
      %dma_wait3A_891 = arith.constant 0 : i32
      %dma_wait3A_892 = tpu.memref_slice %arg3[%dma_wait3A_890, %dma_wait3A_891] : memref<1000000x64xf32, #tpu.memory_space<hbm>> -> memref<1000000x64xf32, #tpu.memory_space<hbm>>
      %dma_wait3A_893 = tpu.memref_slice %arg7[%dma_wait3A_882] : memref<8x!tpu.dma_semaphore, #tpu.memory_space<semaphore_mem>> -> memref<1x!tpu.dma_semaphore, #tpu.memory_space<semaphore_mem>>
      %dma_wait3A_894 = tpu.memref_squeeze %dma_wait3A_893 : memref<1x!tpu.dma_semaphore, #tpu.memory_space<semaphore_mem>> -> memref<!tpu.dma_semaphore, #tpu.memory_space<semaphore_mem>>
      tpu.wait_indirect_dma semaphore(%dma_wait3A_894 : memref<!tpu.dma_semaphore, #tpu.memory_space<semaphore_mem>>) src(%dma_wait3A_892 : memref<1000000x64xf32, #tpu.memory_space<hbm>>) dst(%dma_wait3A_886 : memref<128x64xf32, #tpu.memory_space<vmem>>)
      %mul3A_895 = arith.constant 128 : i32
      %mul3A_896 = arith.muli %add3A_843, %mul3A_895 : i32
      %add3A_897 = arith.addi %mul3A_2, %mul3A_896 : i32
      %dma_start3A_898 = arith.constant 0 : i32
      %dma_start3A_899 = arith.constant 0 : i32
      %dma_start3A_900 = arith.constant 0 : i32
      %dma_start3A_901 = arith.constant 0 : i32
      %dma_start3A_902 = tpu.memref_slice %arg6[%dma_start3A_898, %dma_start3A_900, %dma_start3A_901] : memref<8x128x64xf32, #tpu.memory_space<vmem>> -> memref<1x128x64xf32, #tpu.memory_space<vmem>>
      %dma_start3A_903 = tpu.memref_squeeze %dma_start3A_902 : memref<1x128x64xf32, #tpu.memory_space<vmem>> -> memref<128x64xf32, #tpu.memory_space<vmem>>
      %dma_start3A_904 = arith.constant 0 : i32
      %dma_start3A_905 = tpu.memref_slice %arg4[%add3A_897, %dma_start3A_904] : memref<425984x64xf32, #tpu.memory_space<hbm>> -> memref<128x64xf32, #tpu.memory_space<hbm>>
      %dma_start3A_906 = tpu.memref_slice %arg8[%dma_start3A_899] : memref<8x!tpu.dma_semaphore, #tpu.memory_space<semaphore_mem>> -> memref<1x!tpu.dma_semaphore, #tpu.memory_space<semaphore_mem>>
      %dma_start3A_907 = tpu.memref_squeeze %dma_start3A_906 : memref<1x!tpu.dma_semaphore, #tpu.memory_space<semaphore_mem>> -> memref<!tpu.dma_semaphore, #tpu.memory_space<semaphore_mem>>
      %dma_start3A_908 = arith.constant 0 : i32
      %dma_start3A_909 = tpu.memref_slice %arg4[%add3A_897, %dma_start3A_908] : memref<425984x64xf32, #tpu.memory_space<hbm>> -> memref<128x64xf32, #tpu.memory_space<hbm>>
      %dma_start3A_910 = arith.constant 0 : i32
      %dma_start3A_911 = arith.constant 0 : i32
      %dma_start3A_912 = tpu.memref_slice %arg6[%dma_start3A_898, %dma_start3A_910, %dma_start3A_911] : memref<8x128x64xf32, #tpu.memory_space<vmem>> -> memref<1x128x64xf32, #tpu.memory_space<vmem>>
      %dma_start3A_913 = tpu.memref_squeeze %dma_start3A_912 : memref<1x128x64xf32, #tpu.memory_space<vmem>> -> memref<128x64xf32, #tpu.memory_space<vmem>>
      tpu.enqueue_dma source(%dma_start3A_913 : memref<128x64xf32, #tpu.memory_space<vmem>>) target(%dma_start3A_909 : memref<128x64xf32, #tpu.memory_space<hbm>>) target_semaphore(%dma_start3A_907 : memref<!tpu.dma_semaphore, #tpu.memory_space<semaphore_mem>>)
      %mul3A_914 = arith.constant 8 : i32
      %mul3A_915 = arith.muli %scan3A_534, %mul3A_914 : i32
      %add3A_916 = arith.constant 4 : i32
      %add3A_917 = arith.addi %add3A_916, %mul3A_915 : i32
      %add3A_918 = arith.constant 5 : i32
      %add3A_919 = arith.addi %add3A_917, %add3A_918 : i32
      %add3A_920 = arith.constant 4 : i32
      %add3A_921 = arith.addi %add3A_919, %add3A_920 : i32
      %sub3A_922 = arith.constant 8 : i32
      %sub3A_923 = arith.subi %add3A_921, %sub3A_922 : i32
      %mul3A_924 = arith.constant 128 : i32
      %mul3A_925 = arith.muli %sub3A_923, %mul3A_924 : i32
      %add3A_926 = arith.addi %mul3A_2, %mul3A_925 : i32
      %dma_wait3A_927 = arith.constant 5 : i32
      %dma_wait3A_928 = arith.constant 5 : i32
      %dma_wait3A_929 = arith.constant 0 : i32
      %dma_wait3A_930 = arith.constant 0 : i32
      %dma_wait3A_931 = tpu.memref_slice %arg6[%dma_wait3A_927, %dma_wait3A_929, %dma_wait3A_930] : memref<8x128x64xf32, #tpu.memory_space<vmem>> -> memref<1x128x64xf32, #tpu.memory_space<vmem>>
      %dma_wait3A_932 = tpu.memref_squeeze %dma_wait3A_931 : memref<1x128x64xf32, #tpu.memory_space<vmem>> -> memref<128x64xf32, #tpu.memory_space<vmem>>
      %dma_wait3A_933 = arith.constant 0 : i32
      %dma_wait3A_934 = tpu.memref_slice %arg4[%add3A_926, %dma_wait3A_933] : memref<425984x64xf32, #tpu.memory_space<hbm>> -> memref<128x64xf32, #tpu.memory_space<hbm>>
      %dma_wait3A_935 = tpu.memref_slice %arg8[%dma_wait3A_928] : memref<8x!tpu.dma_semaphore, #tpu.memory_space<semaphore_mem>> -> memref<1x!tpu.dma_semaphore, #tpu.memory_space<semaphore_mem>>
      %dma_wait3A_936 = tpu.memref_squeeze %dma_wait3A_935 : memref<1x!tpu.dma_semaphore, #tpu.memory_space<semaphore_mem>> -> memref<!tpu.dma_semaphore, #tpu.memory_space<semaphore_mem>>
      %dma_wait3A_937 = arith.constant 0 : i32
      %dma_wait3A_938 = tpu.memref_slice %arg4[%add3A_926, %dma_wait3A_937] : memref<425984x64xf32, #tpu.memory_space<hbm>> -> memref<128x64xf32, #tpu.memory_space<hbm>>
      %dma_wait3A_939 = arith.constant 0 : i32
      %dma_wait3A_940 = arith.constant 0 : i32
      %dma_wait3A_941 = tpu.memref_slice %arg6[%dma_wait3A_927, %dma_wait3A_939, %dma_wait3A_940] : memref<8x128x64xf32, #tpu.memory_space<vmem>> -> memref<1x128x64xf32, #tpu.memory_space<vmem>>
      %dma_wait3A_942 = tpu.memref_squeeze %dma_wait3A_941 : memref<1x128x64xf32, #tpu.memory_space<vmem>> -> memref<128x64xf32, #tpu.memory_space<vmem>>
      tpu.wait_dma2 semaphore(%dma_wait3A_936 : memref<!tpu.dma_semaphore, #tpu.memory_space<semaphore_mem>>) src(%dma_wait3A_942 : memref<128x64xf32, #tpu.memory_space<vmem>>) dst(%dma_wait3A_938 : memref<128x64xf32, #tpu.memory_space<hbm>>)
      %dma_start3A_943 = arith.constant 5 : i32
      %dma_start3A_944 = arith.constant 5 : i32
      %dma_start3A_945 = arith.constant 0 : i32
      %dma_start3A_946 = arith.constant 0 : i32
      %dma_start3A_947 = tpu.memref_slice %arg6[%dma_start3A_943, %dma_start3A_945, %dma_start3A_946] : memref<8x128x64xf32, #tpu.memory_space<vmem>> -> memref<1x128x64xf32, #tpu.memory_space<vmem>>
      %dma_start3A_948 = tpu.memref_squeeze %dma_start3A_947 : memref<1x128x64xf32, #tpu.memory_space<vmem>> -> memref<128x64xf32, #tpu.memory_space<vmem>>
      %dma_start3A_949 = arith.constant 0 : i32
      %dma_start3A_950 = tpu.memref_slice %arg5[%add3A_921, %dma_start3A_949] : memref<104x128xi32, #tpu.memory_space<vmem>> -> memref<1x128xi32, #tpu.memory_space<vmem>>
      %dma_start3A_951 = tpu.memref_squeeze %dma_start3A_950 : memref<1x128xi32, #tpu.memory_space<vmem>> -> memref<128xi32, #tpu.memory_space<vmem>>
      %dma_start3A_952 = arith.constant 0 : i32
      %dma_start3A_953 = arith.constant 0 : i32
      %dma_start3A_954 = tpu.memref_slice %arg3[%dma_start3A_952, %dma_start3A_953] : memref<1000000x64xf32, #tpu.memory_space<hbm>> -> memref<1000000x64xf32, #tpu.memory_space<hbm>>
      %dma_start3A_955 = tpu.memref_slice %arg7[%dma_start3A_944] : memref<8x!tpu.dma_semaphore, #tpu.memory_space<semaphore_mem>> -> memref<1x!tpu.dma_semaphore, #tpu.memory_space<semaphore_mem>>
      %dma_start3A_956 = tpu.memref_squeeze %dma_start3A_955 : memref<1x!tpu.dma_semaphore, #tpu.memory_space<semaphore_mem>> -> memref<!tpu.dma_semaphore, #tpu.memory_space<semaphore_mem>>
      tpu.enqueue_indirect_dma source(%dma_start3A_954 : memref<1000000x64xf32, #tpu.memory_space<hbm>>) target(%dma_start3A_948 : memref<128x64xf32, #tpu.memory_space<vmem>>) offsets(%dma_start3A_951 : memref<128xi32, #tpu.memory_space<vmem>>) semaphore(%dma_start3A_956 : memref<!tpu.dma_semaphore, #tpu.memory_space<semaphore_mem>>)
      %dma_wait3A_957 = arith.constant 1 : i32
      %dma_wait3A_958 = arith.constant 1 : i32
      %dma_wait3A_959 = arith.constant 0 : i32
      %dma_wait3A_960 = arith.constant 0 : i32
      %dma_wait3A_961 = tpu.memref_slice %arg6[%dma_wait3A_957, %dma_wait3A_959, %dma_wait3A_960] : memref<8x128x64xf32, #tpu.memory_space<vmem>> -> memref<1x128x64xf32, #tpu.memory_space<vmem>>
      %dma_wait3A_962 = tpu.memref_squeeze %dma_wait3A_961 : memref<1x128x64xf32, #tpu.memory_space<vmem>> -> memref<128x64xf32, #tpu.memory_space<vmem>>
      %dma_wait3A_963 = arith.constant 0 : i32
      %dma_wait3A_964 = tpu.memref_slice %arg5[%add3A_919, %dma_wait3A_963] : memref<104x128xi32, #tpu.memory_space<vmem>> -> memref<1x128xi32, #tpu.memory_space<vmem>>
      %dma_wait3A_965 = tpu.memref_squeeze %dma_wait3A_964 : memref<1x128xi32, #tpu.memory_space<vmem>> -> memref<128xi32, #tpu.memory_space<vmem>>
      %dma_wait3A_966 = arith.constant 0 : i32
      %dma_wait3A_967 = arith.constant 0 : i32
      %dma_wait3A_968 = tpu.memref_slice %arg3[%dma_wait3A_966, %dma_wait3A_967] : memref<1000000x64xf32, #tpu.memory_space<hbm>> -> memref<1000000x64xf32, #tpu.memory_space<hbm>>
      %dma_wait3A_969 = tpu.memref_slice %arg7[%dma_wait3A_958] : memref<8x!tpu.dma_semaphore, #tpu.memory_space<semaphore_mem>> -> memref<1x!tpu.dma_semaphore, #tpu.memory_space<semaphore_mem>>
      %dma_wait3A_970 = tpu.memref_squeeze %dma_wait3A_969 : memref<1x!tpu.dma_semaphore, #tpu.memory_space<semaphore_mem>> -> memref<!tpu.dma_semaphore, #tpu.memory_space<semaphore_mem>>
      tpu.wait_indirect_dma semaphore(%dma_wait3A_970 : memref<!tpu.dma_semaphore, #tpu.memory_space<semaphore_mem>>) src(%dma_wait3A_968 : memref<1000000x64xf32, #tpu.memory_space<hbm>>) dst(%dma_wait3A_962 : memref<128x64xf32, #tpu.memory_space<vmem>>)
      %mul3A_971 = arith.constant 128 : i32
      %mul3A_972 = arith.muli %add3A_919, %mul3A_971 : i32
      %add3A_973 = arith.addi %mul3A_2, %mul3A_972 : i32
      %dma_start3A_974 = arith.constant 1 : i32
      %dma_start3A_975 = arith.constant 1 : i32
      %dma_start3A_976 = arith.constant 0 : i32
      %dma_start3A_977 = arith.constant 0 : i32
      %dma_start3A_978 = tpu.memref_slice %arg6[%dma_start3A_974, %dma_start3A_976, %dma_start3A_977] : memref<8x128x64xf32, #tpu.memory_space<vmem>> -> memref<1x128x64xf32, #tpu.memory_space<vmem>>
      %dma_start3A_979 = tpu.memref_squeeze %dma_start3A_978 : memref<1x128x64xf32, #tpu.memory_space<vmem>> -> memref<128x64xf32, #tpu.memory_space<vmem>>
      %dma_start3A_980 = arith.constant 0 : i32
      %dma_start3A_981 = tpu.memref_slice %arg4[%add3A_973, %dma_start3A_980] : memref<425984x64xf32, #tpu.memory_space<hbm>> -> memref<128x64xf32, #tpu.memory_space<hbm>>
      %dma_start3A_982 = tpu.memref_slice %arg8[%dma_start3A_975] : memref<8x!tpu.dma_semaphore, #tpu.memory_space<semaphore_mem>> -> memref<1x!tpu.dma_semaphore, #tpu.memory_space<semaphore_mem>>
      %dma_start3A_983 = tpu.memref_squeeze %dma_start3A_982 : memref<1x!tpu.dma_semaphore, #tpu.memory_space<semaphore_mem>> -> memref<!tpu.dma_semaphore, #tpu.memory_space<semaphore_mem>>
      %dma_start3A_984 = arith.constant 0 : i32
      %dma_start3A_985 = tpu.memref_slice %arg4[%add3A_973, %dma_start3A_984] : memref<425984x64xf32, #tpu.memory_space<hbm>> -> memref<128x64xf32, #tpu.memory_space<hbm>>
      %dma_start3A_986 = arith.constant 0 : i32
      %dma_start3A_987 = arith.constant 0 : i32
      %dma_start3A_988 = tpu.memref_slice %arg6[%dma_start3A_974, %dma_start3A_986, %dma_start3A_987] : memref<8x128x64xf32, #tpu.memory_space<vmem>> -> memref<1x128x64xf32, #tpu.memory_space<vmem>>
      %dma_start3A_989 = tpu.memref_squeeze %dma_start3A_988 : memref<1x128x64xf32, #tpu.memory_space<vmem>> -> memref<128x64xf32, #tpu.memory_space<vmem>>
      tpu.enqueue_dma source(%dma_start3A_989 : memref<128x64xf32, #tpu.memory_space<vmem>>) target(%dma_start3A_985 : memref<128x64xf32, #tpu.memory_space<hbm>>) target_semaphore(%dma_start3A_983 : memref<!tpu.dma_semaphore, #tpu.memory_space<semaphore_mem>>)
      %mul3A_990 = arith.constant 8 : i32
      %mul3A_991 = arith.muli %scan3A_534, %mul3A_990 : i32
      %add3A_992 = arith.constant 4 : i32
      %add3A_993 = arith.addi %add3A_992, %mul3A_991 : i32
      %add3A_994 = arith.constant 6 : i32
      %add3A_995 = arith.addi %add3A_993, %add3A_994 : i32
      %add3A_996 = arith.constant 4 : i32
      %add3A_997 = arith.addi %add3A_995, %add3A_996 : i32
      %sub3A_998 = arith.constant 8 : i32
      %sub3A_999 = arith.subi %add3A_997, %sub3A_998 : i32
      %mul3A_1000 = arith.constant 128 : i32
      %mul3A_1001 = arith.muli %sub3A_999, %mul3A_1000 : i32
      %add3A_1002 = arith.addi %mul3A_2, %mul3A_1001 : i32
      %dma_wait3A_1003 = arith.constant 6 : i32
      %dma_wait3A_1004 = arith.constant 6 : i32
      %dma_wait3A_1005 = arith.constant 0 : i32
      %dma_wait3A_1006 = arith.constant 0 : i32
      %dma_wait3A_1007 = tpu.memref_slice %arg6[%dma_wait3A_1003, %dma_wait3A_1005, %dma_wait3A_1006] : memref<8x128x64xf32, #tpu.memory_space<vmem>> -> memref<1x128x64xf32, #tpu.memory_space<vmem>>
      %dma_wait3A_1008 = tpu.memref_squeeze %dma_wait3A_1007 : memref<1x128x64xf32, #tpu.memory_space<vmem>> -> memref<128x64xf32, #tpu.memory_space<vmem>>
      %dma_wait3A_1009 = arith.constant 0 : i32
      %dma_wait3A_1010 = tpu.memref_slice %arg4[%add3A_1002, %dma_wait3A_1009] : memref<425984x64xf32, #tpu.memory_space<hbm>> -> memref<128x64xf32, #tpu.memory_space<hbm>>
      %dma_wait3A_1011 = tpu.memref_slice %arg8[%dma_wait3A_1004] : memref<8x!tpu.dma_semaphore, #tpu.memory_space<semaphore_mem>> -> memref<1x!tpu.dma_semaphore, #tpu.memory_space<semaphore_mem>>
      %dma_wait3A_1012 = tpu.memref_squeeze %dma_wait3A_1011 : memref<1x!tpu.dma_semaphore, #tpu.memory_space<semaphore_mem>> -> memref<!tpu.dma_semaphore, #tpu.memory_space<semaphore_mem>>
      %dma_wait3A_1013 = arith.constant 0 : i32
      %dma_wait3A_1014 = tpu.memref_slice %arg4[%add3A_1002, %dma_wait3A_1013] : memref<425984x64xf32, #tpu.memory_space<hbm>> -> memref<128x64xf32, #tpu.memory_space<hbm>>
      %dma_wait3A_1015 = arith.constant 0 : i32
      %dma_wait3A_1016 = arith.constant 0 : i32
      %dma_wait3A_1017 = tpu.memref_slice %arg6[%dma_wait3A_1003, %dma_wait3A_1015, %dma_wait3A_1016] : memref<8x128x64xf32, #tpu.memory_space<vmem>> -> memref<1x128x64xf32, #tpu.memory_space<vmem>>
      %dma_wait3A_1018 = tpu.memref_squeeze %dma_wait3A_1017 : memref<1x128x64xf32, #tpu.memory_space<vmem>> -> memref<128x64xf32, #tpu.memory_space<vmem>>
      tpu.wait_dma2 semaphore(%dma_wait3A_1012 : memref<!tpu.dma_semaphore, #tpu.memory_space<semaphore_mem>>) src(%dma_wait3A_1018 : memref<128x64xf32, #tpu.memory_space<vmem>>) dst(%dma_wait3A_1014 : memref<128x64xf32, #tpu.memory_space<hbm>>)
      %dma_start3A_1019 = arith.constant 6 : i32
      %dma_start3A_1020 = arith.constant 6 : i32
      %dma_start3A_1021 = arith.constant 0 : i32
      %dma_start3A_1022 = arith.constant 0 : i32
      %dma_start3A_1023 = tpu.memref_slice %arg6[%dma_start3A_1019, %dma_start3A_1021, %dma_start3A_1022] : memref<8x128x64xf32, #tpu.memory_space<vmem>> -> memref<1x128x64xf32, #tpu.memory_space<vmem>>
      %dma_start3A_1024 = tpu.memref_squeeze %dma_start3A_1023 : memref<1x128x64xf32, #tpu.memory_space<vmem>> -> memref<128x64xf32, #tpu.memory_space<vmem>>
      %dma_start3A_1025 = arith.constant 0 : i32
      %dma_start3A_1026 = tpu.memref_slice %arg5[%add3A_997, %dma_start3A_1025] : memref<104x128xi32, #tpu.memory_space<vmem>> -> memref<1x128xi32, #tpu.memory_space<vmem>>
      %dma_start3A_1027 = tpu.memref_squeeze %dma_start3A_1026 : memref<1x128xi32, #tpu.memory_space<vmem>> -> memref<128xi32, #tpu.memory_space<vmem>>
      %dma_start3A_1028 = arith.constant 0 : i32
      %dma_start3A_1029 = arith.constant 0 : i32
      %dma_start3A_1030 = tpu.memref_slice %arg3[%dma_start3A_1028, %dma_start3A_1029] : memref<1000000x64xf32, #tpu.memory_space<hbm>> -> memref<1000000x64xf32, #tpu.memory_space<hbm>>
      %dma_start3A_1031 = tpu.memref_slice %arg7[%dma_start3A_1020] : memref<8x!tpu.dma_semaphore, #tpu.memory_space<semaphore_mem>> -> memref<1x!tpu.dma_semaphore, #tpu.memory_space<semaphore_mem>>
      %dma_start3A_1032 = tpu.memref_squeeze %dma_start3A_1031 : memref<1x!tpu.dma_semaphore, #tpu.memory_space<semaphore_mem>> -> memref<!tpu.dma_semaphore, #tpu.memory_space<semaphore_mem>>
      tpu.enqueue_indirect_dma source(%dma_start3A_1030 : memref<1000000x64xf32, #tpu.memory_space<hbm>>) target(%dma_start3A_1024 : memref<128x64xf32, #tpu.memory_space<vmem>>) offsets(%dma_start3A_1027 : memref<128xi32, #tpu.memory_space<vmem>>) semaphore(%dma_start3A_1032 : memref<!tpu.dma_semaphore, #tpu.memory_space<semaphore_mem>>)
      %dma_wait3A_1033 = arith.constant 2 : i32
      %dma_wait3A_1034 = arith.constant 2 : i32
      %dma_wait3A_1035 = arith.constant 0 : i32
      %dma_wait3A_1036 = arith.constant 0 : i32
      %dma_wait3A_1037 = tpu.memref_slice %arg6[%dma_wait3A_1033, %dma_wait3A_1035, %dma_wait3A_1036] : memref<8x128x64xf32, #tpu.memory_space<vmem>> -> memref<1x128x64xf32, #tpu.memory_space<vmem>>
      %dma_wait3A_1038 = tpu.memref_squeeze %dma_wait3A_1037 : memref<1x128x64xf32, #tpu.memory_space<vmem>> -> memref<128x64xf32, #tpu.memory_space<vmem>>
      %dma_wait3A_1039 = arith.constant 0 : i32
      %dma_wait3A_1040 = tpu.memref_slice %arg5[%add3A_995, %dma_wait3A_1039] : memref<104x128xi32, #tpu.memory_space<vmem>> -> memref<1x128xi32, #tpu.memory_space<vmem>>
      %dma_wait3A_1041 = tpu.memref_squeeze %dma_wait3A_1040 : memref<1x128xi32, #tpu.memory_space<vmem>> -> memref<128xi32, #tpu.memory_space<vmem>>
      %dma_wait3A_1042 = arith.constant 0 : i32
      %dma_wait3A_1043 = arith.constant 0 : i32
      %dma_wait3A_1044 = tpu.memref_slice %arg3[%dma_wait3A_1042, %dma_wait3A_1043] : memref<1000000x64xf32, #tpu.memory_space<hbm>> -> memref<1000000x64xf32, #tpu.memory_space<hbm>>
      %dma_wait3A_1045 = tpu.memref_slice %arg7[%dma_wait3A_1034] : memref<8x!tpu.dma_semaphore, #tpu.memory_space<semaphore_mem>> -> memref<1x!tpu.dma_semaphore, #tpu.memory_space<semaphore_mem>>
      %dma_wait3A_1046 = tpu.memref_squeeze %dma_wait3A_1045 : memref<1x!tpu.dma_semaphore, #tpu.memory_space<semaphore_mem>> -> memref<!tpu.dma_semaphore, #tpu.memory_space<semaphore_mem>>
      tpu.wait_indirect_dma semaphore(%dma_wait3A_1046 : memref<!tpu.dma_semaphore, #tpu.memory_space<semaphore_mem>>) src(%dma_wait3A_1044 : memref<1000000x64xf32, #tpu.memory_space<hbm>>) dst(%dma_wait3A_1038 : memref<128x64xf32, #tpu.memory_space<vmem>>)
      %mul3A_1047 = arith.constant 128 : i32
      %mul3A_1048 = arith.muli %add3A_995, %mul3A_1047 : i32
      %add3A_1049 = arith.addi %mul3A_2, %mul3A_1048 : i32
      %dma_start3A_1050 = arith.constant 2 : i32
      %dma_start3A_1051 = arith.constant 2 : i32
      %dma_start3A_1052 = arith.constant 0 : i32
      %dma_start3A_1053 = arith.constant 0 : i32
      %dma_start3A_1054 = tpu.memref_slice %arg6[%dma_start3A_1050, %dma_start3A_1052, %dma_start3A_1053] : memref<8x128x64xf32, #tpu.memory_space<vmem>> -> memref<1x128x64xf32, #tpu.memory_space<vmem>>
      %dma_start3A_1055 = tpu.memref_squeeze %dma_start3A_1054 : memref<1x128x64xf32, #tpu.memory_space<vmem>> -> memref<128x64xf32, #tpu.memory_space<vmem>>
      %dma_start3A_1056 = arith.constant 0 : i32
      %dma_start3A_1057 = tpu.memref_slice %arg4[%add3A_1049, %dma_start3A_1056] : memref<425984x64xf32, #tpu.memory_space<hbm>> -> memref<128x64xf32, #tpu.memory_space<hbm>>
      %dma_start3A_1058 = tpu.memref_slice %arg8[%dma_start3A_1051] : memref<8x!tpu.dma_semaphore, #tpu.memory_space<semaphore_mem>> -> memref<1x!tpu.dma_semaphore, #tpu.memory_space<semaphore_mem>>
      %dma_start3A_1059 = tpu.memref_squeeze %dma_start3A_1058 : memref<1x!tpu.dma_semaphore, #tpu.memory_space<semaphore_mem>> -> memref<!tpu.dma_semaphore, #tpu.memory_space<semaphore_mem>>
      %dma_start3A_1060 = arith.constant 0 : i32
      %dma_start3A_1061 = tpu.memref_slice %arg4[%add3A_1049, %dma_start3A_1060] : memref<425984x64xf32, #tpu.memory_space<hbm>> -> memref<128x64xf32, #tpu.memory_space<hbm>>
      %dma_start3A_1062 = arith.constant 0 : i32
      %dma_start3A_1063 = arith.constant 0 : i32
      %dma_start3A_1064 = tpu.memref_slice %arg6[%dma_start3A_1050, %dma_start3A_1062, %dma_start3A_1063] : memref<8x128x64xf32, #tpu.memory_space<vmem>> -> memref<1x128x64xf32, #tpu.memory_space<vmem>>
      %dma_start3A_1065 = tpu.memref_squeeze %dma_start3A_1064 : memref<1x128x64xf32, #tpu.memory_space<vmem>> -> memref<128x64xf32, #tpu.memory_space<vmem>>
      tpu.enqueue_dma source(%dma_start3A_1065 : memref<128x64xf32, #tpu.memory_space<vmem>>) target(%dma_start3A_1061 : memref<128x64xf32, #tpu.memory_space<hbm>>) target_semaphore(%dma_start3A_1059 : memref<!tpu.dma_semaphore, #tpu.memory_space<semaphore_mem>>)
      %mul3A_1066 = arith.constant 8 : i32
      %mul3A_1067 = arith.muli %scan3A_534, %mul3A_1066 : i32
      %add3A_1068 = arith.constant 4 : i32
      %add3A_1069 = arith.addi %add3A_1068, %mul3A_1067 : i32
      %add3A_1070 = arith.constant 7 : i32
      %add3A_1071 = arith.addi %add3A_1069, %add3A_1070 : i32
      %add3A_1072 = arith.constant 4 : i32
      %add3A_1073 = arith.addi %add3A_1071, %add3A_1072 : i32
      %sub3A_1074 = arith.constant 8 : i32
      %sub3A_1075 = arith.subi %add3A_1073, %sub3A_1074 : i32
      %mul3A_1076 = arith.constant 128 : i32
      %mul3A_1077 = arith.muli %sub3A_1075, %mul3A_1076 : i32
      %add3A_1078 = arith.addi %mul3A_2, %mul3A_1077 : i32
      %dma_wait3A_1079 = arith.constant 7 : i32
      %dma_wait3A_1080 = arith.constant 7 : i32
      %dma_wait3A_1081 = arith.constant 0 : i32
      %dma_wait3A_1082 = arith.constant 0 : i32
      %dma_wait3A_1083 = tpu.memref_slice %arg6[%dma_wait3A_1079, %dma_wait3A_1081, %dma_wait3A_1082] : memref<8x128x64xf32, #tpu.memory_space<vmem>> -> memref<1x128x64xf32, #tpu.memory_space<vmem>>
      %dma_wait3A_1084 = tpu.memref_squeeze %dma_wait3A_1083 : memref<1x128x64xf32, #tpu.memory_space<vmem>> -> memref<128x64xf32, #tpu.memory_space<vmem>>
      %dma_wait3A_1085 = arith.constant 0 : i32
      %dma_wait3A_1086 = tpu.memref_slice %arg4[%add3A_1078, %dma_wait3A_1085] : memref<425984x64xf32, #tpu.memory_space<hbm>> -> memref<128x64xf32, #tpu.memory_space<hbm>>
      %dma_wait3A_1087 = tpu.memref_slice %arg8[%dma_wait3A_1080] : memref<8x!tpu.dma_semaphore, #tpu.memory_space<semaphore_mem>> -> memref<1x!tpu.dma_semaphore, #tpu.memory_space<semaphore_mem>>
      %dma_wait3A_1088 = tpu.memref_squeeze %dma_wait3A_1087 : memref<1x!tpu.dma_semaphore, #tpu.memory_space<semaphore_mem>> -> memref<!tpu.dma_semaphore, #tpu.memory_space<semaphore_mem>>
      %dma_wait3A_1089 = arith.constant 0 : i32
      %dma_wait3A_1090 = tpu.memref_slice %arg4[%add3A_1078, %dma_wait3A_1089] : memref<425984x64xf32, #tpu.memory_space<hbm>> -> memref<128x64xf32, #tpu.memory_space<hbm>>
      %dma_wait3A_1091 = arith.constant 0 : i32
      %dma_wait3A_1092 = arith.constant 0 : i32
      %dma_wait3A_1093 = tpu.memref_slice %arg6[%dma_wait3A_1079, %dma_wait3A_1091, %dma_wait3A_1092] : memref<8x128x64xf32, #tpu.memory_space<vmem>> -> memref<1x128x64xf32, #tpu.memory_space<vmem>>
      %dma_wait3A_1094 = tpu.memref_squeeze %dma_wait3A_1093 : memref<1x128x64xf32, #tpu.memory_space<vmem>> -> memref<128x64xf32, #tpu.memory_space<vmem>>
      tpu.wait_dma2 semaphore(%dma_wait3A_1088 : memref<!tpu.dma_semaphore, #tpu.memory_space<semaphore_mem>>) src(%dma_wait3A_1094 : memref<128x64xf32, #tpu.memory_space<vmem>>) dst(%dma_wait3A_1090 : memref<128x64xf32, #tpu.memory_space<hbm>>)
      %dma_start3A_1095 = arith.constant 7 : i32
      %dma_start3A_1096 = arith.constant 7 : i32
      %dma_start3A_1097 = arith.constant 0 : i32
      %dma_start3A_1098 = arith.constant 0 : i32
      %dma_start3A_1099 = tpu.memref_slice %arg6[%dma_start3A_1095, %dma_start3A_1097, %dma_start3A_1098] : memref<8x128x64xf32, #tpu.memory_space<vmem>> -> memref<1x128x64xf32, #tpu.memory_space<vmem>>
      %dma_start3A_1100 = tpu.memref_squeeze %dma_start3A_1099 : memref<1x128x64xf32, #tpu.memory_space<vmem>> -> memref<128x64xf32, #tpu.memory_space<vmem>>
      %dma_start3A_1101 = arith.constant 0 : i32
      %dma_start3A_1102 = tpu.memref_slice %arg5[%add3A_1073, %dma_start3A_1101] : memref<104x128xi32, #tpu.memory_space<vmem>> -> memref<1x128xi32, #tpu.memory_space<vmem>>
      %dma_start3A_1103 = tpu.memref_squeeze %dma_start3A_1102 : memref<1x128xi32, #tpu.memory_space<vmem>> -> memref<128xi32, #tpu.memory_space<vmem>>
      %dma_start3A_1104 = arith.constant 0 : i32
      %dma_start3A_1105 = arith.constant 0 : i32
      %dma_start3A_1106 = tpu.memref_slice %arg3[%dma_start3A_1104, %dma_start3A_1105] : memref<1000000x64xf32, #tpu.memory_space<hbm>> -> memref<1000000x64xf32, #tpu.memory_space<hbm>>
      %dma_start3A_1107 = tpu.memref_slice %arg7[%dma_start3A_1096] : memref<8x!tpu.dma_semaphore, #tpu.memory_space<semaphore_mem>> -> memref<1x!tpu.dma_semaphore, #tpu.memory_space<semaphore_mem>>
      %dma_start3A_1108 = tpu.memref_squeeze %dma_start3A_1107 : memref<1x!tpu.dma_semaphore, #tpu.memory_space<semaphore_mem>> -> memref<!tpu.dma_semaphore, #tpu.memory_space<semaphore_mem>>
      tpu.enqueue_indirect_dma source(%dma_start3A_1106 : memref<1000000x64xf32, #tpu.memory_space<hbm>>) target(%dma_start3A_1100 : memref<128x64xf32, #tpu.memory_space<vmem>>) offsets(%dma_start3A_1103 : memref<128xi32, #tpu.memory_space<vmem>>) semaphore(%dma_start3A_1108 : memref<!tpu.dma_semaphore, #tpu.memory_space<semaphore_mem>>)
      %dma_wait3A_1109 = arith.constant 3 : i32
      %dma_wait3A_1110 = arith.constant 3 : i32
      %dma_wait3A_1111 = arith.constant 0 : i32
      %dma_wait3A_1112 = arith.constant 0 : i32
      %dma_wait3A_1113 = tpu.memref_slice %arg6[%dma_wait3A_1109, %dma_wait3A_1111, %dma_wait3A_1112] : memref<8x128x64xf32, #tpu.memory_space<vmem>> -> memref<1x128x64xf32, #tpu.memory_space<vmem>>
      %dma_wait3A_1114 = tpu.memref_squeeze %dma_wait3A_1113 : memref<1x128x64xf32, #tpu.memory_space<vmem>> -> memref<128x64xf32, #tpu.memory_space<vmem>>
      %dma_wait3A_1115 = arith.constant 0 : i32
      %dma_wait3A_1116 = tpu.memref_slice %arg5[%add3A_1071, %dma_wait3A_1115] : memref<104x128xi32, #tpu.memory_space<vmem>> -> memref<1x128xi32, #tpu.memory_space<vmem>>
      %dma_wait3A_1117 = tpu.memref_squeeze %dma_wait3A_1116 : memref<1x128xi32, #tpu.memory_space<vmem>> -> memref<128xi32, #tpu.memory_space<vmem>>
      %dma_wait3A_1118 = arith.constant 0 : i32
      %dma_wait3A_1119 = arith.constant 0 : i32
      %dma_wait3A_1120 = tpu.memref_slice %arg3[%dma_wait3A_1118, %dma_wait3A_1119] : memref<1000000x64xf32, #tpu.memory_space<hbm>> -> memref<1000000x64xf32, #tpu.memory_space<hbm>>
      %dma_wait3A_1121 = tpu.memref_slice %arg7[%dma_wait3A_1110] : memref<8x!tpu.dma_semaphore, #tpu.memory_space<semaphore_mem>> -> memref<1x!tpu.dma_semaphore, #tpu.memory_space<semaphore_mem>>
      %dma_wait3A_1122 = tpu.memref_squeeze %dma_wait3A_1121 : memref<1x!tpu.dma_semaphore, #tpu.memory_space<semaphore_mem>> -> memref<!tpu.dma_semaphore, #tpu.memory_space<semaphore_mem>>
      tpu.wait_indirect_dma semaphore(%dma_wait3A_1122 : memref<!tpu.dma_semaphore, #tpu.memory_space<semaphore_mem>>) src(%dma_wait3A_1120 : memref<1000000x64xf32, #tpu.memory_space<hbm>>) dst(%dma_wait3A_1114 : memref<128x64xf32, #tpu.memory_space<vmem>>)
      %mul3A_1123 = arith.constant 128 : i32
      %mul3A_1124 = arith.muli %add3A_1071, %mul3A_1123 : i32
      %add3A_1125 = arith.addi %mul3A_2, %mul3A_1124 : i32
      %dma_start3A_1126 = arith.constant 3 : i32
      %dma_start3A_1127 = arith.constant 3 : i32
      %dma_start3A_1128 = arith.constant 0 : i32
      %dma_start3A_1129 = arith.constant 0 : i32
      %dma_start3A_1130 = tpu.memref_slice %arg6[%dma_start3A_1126, %dma_start3A_1128, %dma_start3A_1129] : memref<8x128x64xf32, #tpu.memory_space<vmem>> -> memref<1x128x64xf32, #tpu.memory_space<vmem>>
      %dma_start3A_1131 = tpu.memref_squeeze %dma_start3A_1130 : memref<1x128x64xf32, #tpu.memory_space<vmem>> -> memref<128x64xf32, #tpu.memory_space<vmem>>
      %dma_start3A_1132 = arith.constant 0 : i32
      %dma_start3A_1133 = tpu.memref_slice %arg4[%add3A_1125, %dma_start3A_1132] : memref<425984x64xf32, #tpu.memory_space<hbm>> -> memref<128x64xf32, #tpu.memory_space<hbm>>
      %dma_start3A_1134 = tpu.memref_slice %arg8[%dma_start3A_1127] : memref<8x!tpu.dma_semaphore, #tpu.memory_space<semaphore_mem>> -> memref<1x!tpu.dma_semaphore, #tpu.memory_space<semaphore_mem>>
      %dma_start3A_1135 = tpu.memref_squeeze %dma_start3A_1134 : memref<1x!tpu.dma_semaphore, #tpu.memory_space<semaphore_mem>> -> memref<!tpu.dma_semaphore, #tpu.memory_space<semaphore_mem>>
      %dma_start3A_1136 = arith.constant 0 : i32
      %dma_start3A_1137 = tpu.memref_slice %arg4[%add3A_1125, %dma_start3A_1136] : memref<425984x64xf32, #tpu.memory_space<hbm>> -> memref<128x64xf32, #tpu.memory_space<hbm>>
      %dma_start3A_1138 = arith.constant 0 : i32
      %dma_start3A_1139 = arith.constant 0 : i32
      %dma_start3A_1140 = tpu.memref_slice %arg6[%dma_start3A_1126, %dma_start3A_1138, %dma_start3A_1139] : memref<8x128x64xf32, #tpu.memory_space<vmem>> -> memref<1x128x64xf32, #tpu.memory_space<vmem>>
      %dma_start3A_1141 = tpu.memref_squeeze %dma_start3A_1140 : memref<1x128x64xf32, #tpu.memory_space<vmem>> -> memref<128x64xf32, #tpu.memory_space<vmem>>
      tpu.enqueue_dma source(%dma_start3A_1141 : memref<128x64xf32, #tpu.memory_space<vmem>>) target(%dma_start3A_1137 : memref<128x64xf32, #tpu.memory_space<hbm>>) target_semaphore(%dma_start3A_1135 : memref<!tpu.dma_semaphore, #tpu.memory_space<semaphore_mem>>)
    }
    %scan3A_257 = arith.constant 12 : i32
    %dma_wait3A_258 = arith.constant 100 : i32
    %dma_wait3A_259 = arith.constant 4 : i32
    %dma_wait3A_260 = arith.constant 4 : i32
    %dma_wait3A_261 = arith.constant 0 : i32
    %dma_wait3A_262 = arith.constant 0 : i32
    %dma_wait3A_263 = tpu.memref_slice %arg6[%dma_wait3A_259, %dma_wait3A_261, %dma_wait3A_262] : memref<8x128x64xf32, #tpu.memory_space<vmem>> -> memref<1x128x64xf32, #tpu.memory_space<vmem>>
    %dma_wait3A_264 = tpu.memref_squeeze %dma_wait3A_263 : memref<1x128x64xf32, #tpu.memory_space<vmem>> -> memref<128x64xf32, #tpu.memory_space<vmem>>
    %dma_wait3A_265 = arith.constant 0 : i32
    %dma_wait3A_266 = tpu.memref_slice %arg5[%dma_wait3A_258, %dma_wait3A_265] : memref<104x128xi32, #tpu.memory_space<vmem>> -> memref<1x128xi32, #tpu.memory_space<vmem>>
    %dma_wait3A_267 = tpu.memref_squeeze %dma_wait3A_266 : memref<1x128xi32, #tpu.memory_space<vmem>> -> memref<128xi32, #tpu.memory_space<vmem>>
    %dma_wait3A_268 = arith.constant 0 : i32
    %dma_wait3A_269 = arith.constant 0 : i32
    %dma_wait3A_270 = tpu.memref_slice %arg3[%dma_wait3A_268, %dma_wait3A_269] : memref<1000000x64xf32, #tpu.memory_space<hbm>> -> memref<1000000x64xf32, #tpu.memory_space<hbm>>
    %dma_wait3A_271 = tpu.memref_slice %arg7[%dma_wait3A_260] : memref<8x!tpu.dma_semaphore, #tpu.memory_space<semaphore_mem>> -> memref<1x!tpu.dma_semaphore, #tpu.memory_space<semaphore_mem>>
    %dma_wait3A_272 = tpu.memref_squeeze %dma_wait3A_271 : memref<1x!tpu.dma_semaphore, #tpu.memory_space<semaphore_mem>> -> memref<!tpu.dma_semaphore, #tpu.memory_space<semaphore_mem>>
    tpu.wait_indirect_dma semaphore(%dma_wait3A_272 : memref<!tpu.dma_semaphore, #tpu.memory_space<semaphore_mem>>) src(%dma_wait3A_270 : memref<1000000x64xf32, #tpu.memory_space<hbm>>) dst(%dma_wait3A_264 : memref<128x64xf32, #tpu.memory_space<vmem>>)
    %add3A_273 = arith.constant 12800 : i32
    %add3A_274 = arith.addi %mul3A_2, %add3A_273 : i32
    %dma_start3A_275 = arith.constant 4 : i32
    %dma_start3A_276 = arith.constant 4 : i32
    %dma_start3A_277 = arith.constant 0 : i32
    %dma_start3A_278 = arith.constant 0 : i32
    %dma_start3A_279 = tpu.memref_slice %arg6[%dma_start3A_275, %dma_start3A_277, %dma_start3A_278] : memref<8x128x64xf32, #tpu.memory_space<vmem>> -> memref<1x128x64xf32, #tpu.memory_space<vmem>>
    %dma_start3A_280 = tpu.memref_squeeze %dma_start3A_279 : memref<1x128x64xf32, #tpu.memory_space<vmem>> -> memref<128x64xf32, #tpu.memory_space<vmem>>
    %dma_start3A_281 = arith.constant 0 : i32
    %dma_start3A_282 = tpu.memref_slice %arg4[%add3A_274, %dma_start3A_281] : memref<425984x64xf32, #tpu.memory_space<hbm>> -> memref<128x64xf32, #tpu.memory_space<hbm>>
    %dma_start3A_283 = tpu.memref_slice %arg8[%dma_start3A_276] : memref<8x!tpu.dma_semaphore, #tpu.memory_space<semaphore_mem>> -> memref<1x!tpu.dma_semaphore, #tpu.memory_space<semaphore_mem>>
    %dma_start3A_284 = tpu.memref_squeeze %dma_start3A_283 : memref<1x!tpu.dma_semaphore, #tpu.memory_space<semaphore_mem>> -> memref<!tpu.dma_semaphore, #tpu.memory_space<semaphore_mem>>
    %dma_start3A_285 = arith.constant 0 : i32
    %dma_start3A_286 = tpu.memref_slice %arg4[%add3A_274, %dma_start3A_285] : memref<425984x64xf32, #tpu.memory_space<hbm>> -> memref<128x64xf32, #tpu.memory_space<hbm>>
    %dma_start3A_287 = arith.constant 0 : i32
    %dma_start3A_288 = arith.constant 0 : i32
    %dma_start3A_289 = tpu.memref_slice %arg6[%dma_start3A_275, %dma_start3A_287, %dma_start3A_288] : memref<8x128x64xf32, #tpu.memory_space<vmem>> -> memref<1x128x64xf32, #tpu.memory_space<vmem>>
    %dma_start3A_290 = tpu.memref_squeeze %dma_start3A_289 : memref<1x128x64xf32, #tpu.memory_space<vmem>> -> memref<128x64xf32, #tpu.memory_space<vmem>>
    tpu.enqueue_dma source(%dma_start3A_290 : memref<128x64xf32, #tpu.memory_space<vmem>>) target(%dma_start3A_286 : memref<128x64xf32, #tpu.memory_space<hbm>>) target_semaphore(%dma_start3A_284 : memref<!tpu.dma_semaphore, #tpu.memory_space<semaphore_mem>>)
    %dma_wait3A_291 = arith.constant 101 : i32
    %dma_wait3A_292 = arith.constant 5 : i32
    %dma_wait3A_293 = arith.constant 5 : i32
    %dma_wait3A_294 = arith.constant 0 : i32
    %dma_wait3A_295 = arith.constant 0 : i32
    %dma_wait3A_296 = tpu.memref_slice %arg6[%dma_wait3A_292, %dma_wait3A_294, %dma_wait3A_295] : memref<8x128x64xf32, #tpu.memory_space<vmem>> -> memref<1x128x64xf32, #tpu.memory_space<vmem>>
    %dma_wait3A_297 = tpu.memref_squeeze %dma_wait3A_296 : memref<1x128x64xf32, #tpu.memory_space<vmem>> -> memref<128x64xf32, #tpu.memory_space<vmem>>
    %dma_wait3A_298 = arith.constant 0 : i32
    %dma_wait3A_299 = tpu.memref_slice %arg5[%dma_wait3A_291, %dma_wait3A_298] : memref<104x128xi32, #tpu.memory_space<vmem>> -> memref<1x128xi32, #tpu.memory_space<vmem>>
    %dma_wait3A_300 = tpu.memref_squeeze %dma_wait3A_299 : memref<1x128xi32, #tpu.memory_space<vmem>> -> memref<128xi32, #tpu.memory_space<vmem>>
    %dma_wait3A_301 = arith.constant 0 : i32
    %dma_wait3A_302 = arith.constant 0 : i32
    %dma_wait3A_303 = tpu.memref_slice %arg3[%dma_wait3A_301, %dma_wait3A_302] : memref<1000000x64xf32, #tpu.memory_space<hbm>> -> memref<1000000x64xf32, #tpu.memory_space<hbm>>
    %dma_wait3A_304 = tpu.memref_slice %arg7[%dma_wait3A_293] : memref<8x!tpu.dma_semaphore, #tpu.memory_space<semaphore_mem>> -> memref<1x!tpu.dma_semaphore, #tpu.memory_space<semaphore_mem>>
    %dma_wait3A_305 = tpu.memref_squeeze %dma_wait3A_304 : memref<1x!tpu.dma_semaphore, #tpu.memory_space<semaphore_mem>> -> memref<!tpu.dma_semaphore, #tpu.memory_space<semaphore_mem>>
    tpu.wait_indirect_dma semaphore(%dma_wait3A_305 : memref<!tpu.dma_semaphore, #tpu.memory_space<semaphore_mem>>) src(%dma_wait3A_303 : memref<1000000x64xf32, #tpu.memory_space<hbm>>) dst(%dma_wait3A_297 : memref<128x64xf32, #tpu.memory_space<vmem>>)
    %add3A_306 = arith.constant 12928 : i32
    %add3A_307 = arith.addi %mul3A_2, %add3A_306 : i32
    %dma_start3A_308 = arith.constant 5 : i32
    %dma_start3A_309 = arith.constant 5 : i32
    %dma_start3A_310 = arith.constant 0 : i32
    %dma_start3A_311 = arith.constant 0 : i32
    %dma_start3A_312 = tpu.memref_slice %arg6[%dma_start3A_308, %dma_start3A_310, %dma_start3A_311] : memref<8x128x64xf32, #tpu.memory_space<vmem>> -> memref<1x128x64xf32, #tpu.memory_space<vmem>>
    %dma_start3A_313 = tpu.memref_squeeze %dma_start3A_312 : memref<1x128x64xf32, #tpu.memory_space<vmem>> -> memref<128x64xf32, #tpu.memory_space<vmem>>
    %dma_start3A_314 = arith.constant 0 : i32
    %dma_start3A_315 = tpu.memref_slice %arg4[%add3A_307, %dma_start3A_314] : memref<425984x64xf32, #tpu.memory_space<hbm>> -> memref<128x64xf32, #tpu.memory_space<hbm>>
    %dma_start3A_316 = tpu.memref_slice %arg8[%dma_start3A_309] : memref<8x!tpu.dma_semaphore, #tpu.memory_space<semaphore_mem>> -> memref<1x!tpu.dma_semaphore, #tpu.memory_space<semaphore_mem>>
    %dma_start3A_317 = tpu.memref_squeeze %dma_start3A_316 : memref<1x!tpu.dma_semaphore, #tpu.memory_space<semaphore_mem>> -> memref<!tpu.dma_semaphore, #tpu.memory_space<semaphore_mem>>
    %dma_start3A_318 = arith.constant 0 : i32
    %dma_start3A_319 = tpu.memref_slice %arg4[%add3A_307, %dma_start3A_318] : memref<425984x64xf32, #tpu.memory_space<hbm>> -> memref<128x64xf32, #tpu.memory_space<hbm>>
    %dma_start3A_320 = arith.constant 0 : i32
    %dma_start3A_321 = arith.constant 0 : i32
    %dma_start3A_322 = tpu.memref_slice %arg6[%dma_start3A_308, %dma_start3A_320, %dma_start3A_321] : memref<8x128x64xf32, #tpu.memory_space<vmem>> -> memref<1x128x64xf32, #tpu.memory_space<vmem>>
    %dma_start3A_323 = tpu.memref_squeeze %dma_start3A_322 : memref<1x128x64xf32, #tpu.memory_space<vmem>> -> memref<128x64xf32, #tpu.memory_space<vmem>>
    tpu.enqueue_dma source(%dma_start3A_323 : memref<128x64xf32, #tpu.memory_space<vmem>>) target(%dma_start3A_319 : memref<128x64xf32, #tpu.memory_space<hbm>>) target_semaphore(%dma_start3A_317 : memref<!tpu.dma_semaphore, #tpu.memory_space<semaphore_mem>>)
    %dma_wait3A_324 = arith.constant 102 : i32
    %dma_wait3A_325 = arith.constant 6 : i32
    %dma_wait3A_326 = arith.constant 6 : i32
    %dma_wait3A_327 = arith.constant 0 : i32
    %dma_wait3A_328 = arith.constant 0 : i32
    %dma_wait3A_329 = tpu.memref_slice %arg6[%dma_wait3A_325, %dma_wait3A_327, %dma_wait3A_328] : memref<8x128x64xf32, #tpu.memory_space<vmem>> -> memref<1x128x64xf32, #tpu.memory_space<vmem>>
    %dma_wait3A_330 = tpu.memref_squeeze %dma_wait3A_329 : memref<1x128x64xf32, #tpu.memory_space<vmem>> -> memref<128x64xf32, #tpu.memory_space<vmem>>
    %dma_wait3A_331 = arith.constant 0 : i32
    %dma_wait3A_332 = tpu.memref_slice %arg5[%dma_wait3A_324, %dma_wait3A_331] : memref<104x128xi32, #tpu.memory_space<vmem>> -> memref<1x128xi32, #tpu.memory_space<vmem>>
    %dma_wait3A_333 = tpu.memref_squeeze %dma_wait3A_332 : memref<1x128xi32, #tpu.memory_space<vmem>> -> memref<128xi32, #tpu.memory_space<vmem>>
    %dma_wait3A_334 = arith.constant 0 : i32
    %dma_wait3A_335 = arith.constant 0 : i32
    %dma_wait3A_336 = tpu.memref_slice %arg3[%dma_wait3A_334, %dma_wait3A_335] : memref<1000000x64xf32, #tpu.memory_space<hbm>> -> memref<1000000x64xf32, #tpu.memory_space<hbm>>
    %dma_wait3A_337 = tpu.memref_slice %arg7[%dma_wait3A_326] : memref<8x!tpu.dma_semaphore, #tpu.memory_space<semaphore_mem>> -> memref<1x!tpu.dma_semaphore, #tpu.memory_space<semaphore_mem>>
    %dma_wait3A_338 = tpu.memref_squeeze %dma_wait3A_337 : memref<1x!tpu.dma_semaphore, #tpu.memory_space<semaphore_mem>> -> memref<!tpu.dma_semaphore, #tpu.memory_space<semaphore_mem>>
    tpu.wait_indirect_dma semaphore(%dma_wait3A_338 : memref<!tpu.dma_semaphore, #tpu.memory_space<semaphore_mem>>) src(%dma_wait3A_336 : memref<1000000x64xf32, #tpu.memory_space<hbm>>) dst(%dma_wait3A_330 : memref<128x64xf32, #tpu.memory_space<vmem>>)
    %add3A_339 = arith.constant 13056 : i32
    %add3A_340 = arith.addi %mul3A_2, %add3A_339 : i32
    %dma_start3A_341 = arith.constant 6 : i32
    %dma_start3A_342 = arith.constant 6 : i32
    %dma_start3A_343 = arith.constant 0 : i32
    %dma_start3A_344 = arith.constant 0 : i32
    %dma_start3A_345 = tpu.memref_slice %arg6[%dma_start3A_341, %dma_start3A_343, %dma_start3A_344] : memref<8x128x64xf32, #tpu.memory_space<vmem>> -> memref<1x128x64xf32, #tpu.memory_space<vmem>>
    %dma_start3A_346 = tpu.memref_squeeze %dma_start3A_345 : memref<1x128x64xf32, #tpu.memory_space<vmem>> -> memref<128x64xf32, #tpu.memory_space<vmem>>
    %dma_start3A_347 = arith.constant 0 : i32
    %dma_start3A_348 = tpu.memref_slice %arg4[%add3A_340, %dma_start3A_347] : memref<425984x64xf32, #tpu.memory_space<hbm>> -> memref<128x64xf32, #tpu.memory_space<hbm>>
    %dma_start3A_349 = tpu.memref_slice %arg8[%dma_start3A_342] : memref<8x!tpu.dma_semaphore, #tpu.memory_space<semaphore_mem>> -> memref<1x!tpu.dma_semaphore, #tpu.memory_space<semaphore_mem>>
    %dma_start3A_350 = tpu.memref_squeeze %dma_start3A_349 : memref<1x!tpu.dma_semaphore, #tpu.memory_space<semaphore_mem>> -> memref<!tpu.dma_semaphore, #tpu.memory_space<semaphore_mem>>
    %dma_start3A_351 = arith.constant 0 : i32
    %dma_start3A_352 = tpu.memref_slice %arg4[%add3A_340, %dma_start3A_351] : memref<425984x64xf32, #tpu.memory_space<hbm>> -> memref<128x64xf32, #tpu.memory_space<hbm>>
    %dma_start3A_353 = arith.constant 0 : i32
    %dma_start3A_354 = arith.constant 0 : i32
    %dma_start3A_355 = tpu.memref_slice %arg6[%dma_start3A_341, %dma_start3A_353, %dma_start3A_354] : memref<8x128x64xf32, #tpu.memory_space<vmem>> -> memref<1x128x64xf32, #tpu.memory_space<vmem>>
    %dma_start3A_356 = tpu.memref_squeeze %dma_start3A_355 : memref<1x128x64xf32, #tpu.memory_space<vmem>> -> memref<128x64xf32, #tpu.memory_space<vmem>>
    tpu.enqueue_dma source(%dma_start3A_356 : memref<128x64xf32, #tpu.memory_space<vmem>>) target(%dma_start3A_352 : memref<128x64xf32, #tpu.memory_space<hbm>>) target_semaphore(%dma_start3A_350 : memref<!tpu.dma_semaphore, #tpu.memory_space<semaphore_mem>>)
    %dma_wait3A_357 = arith.constant 103 : i32
    %dma_wait3A_358 = arith.constant 7 : i32
    %dma_wait3A_359 = arith.constant 7 : i32
    %dma_wait3A_360 = arith.constant 0 : i32
    %dma_wait3A_361 = arith.constant 0 : i32
    %dma_wait3A_362 = tpu.memref_slice %arg6[%dma_wait3A_358, %dma_wait3A_360, %dma_wait3A_361] : memref<8x128x64xf32, #tpu.memory_space<vmem>> -> memref<1x128x64xf32, #tpu.memory_space<vmem>>
    %dma_wait3A_363 = tpu.memref_squeeze %dma_wait3A_362 : memref<1x128x64xf32, #tpu.memory_space<vmem>> -> memref<128x64xf32, #tpu.memory_space<vmem>>
    %dma_wait3A_364 = arith.constant 0 : i32
    %dma_wait3A_365 = tpu.memref_slice %arg5[%dma_wait3A_357, %dma_wait3A_364] : memref<104x128xi32, #tpu.memory_space<vmem>> -> memref<1x128xi32, #tpu.memory_space<vmem>>
    %dma_wait3A_366 = tpu.memref_squeeze %dma_wait3A_365 : memref<1x128xi32, #tpu.memory_space<vmem>> -> memref<128xi32, #tpu.memory_space<vmem>>
    %dma_wait3A_367 = arith.constant 0 : i32
    %dma_wait3A_368 = arith.constant 0 : i32
    %dma_wait3A_369 = tpu.memref_slice %arg3[%dma_wait3A_367, %dma_wait3A_368] : memref<1000000x64xf32, #tpu.memory_space<hbm>> -> memref<1000000x64xf32, #tpu.memory_space<hbm>>
    %dma_wait3A_370 = tpu.memref_slice %arg7[%dma_wait3A_359] : memref<8x!tpu.dma_semaphore, #tpu.memory_space<semaphore_mem>> -> memref<1x!tpu.dma_semaphore, #tpu.memory_space<semaphore_mem>>
    %dma_wait3A_371 = tpu.memref_squeeze %dma_wait3A_370 : memref<1x!tpu.dma_semaphore, #tpu.memory_space<semaphore_mem>> -> memref<!tpu.dma_semaphore, #tpu.memory_space<semaphore_mem>>
    tpu.wait_indirect_dma semaphore(%dma_wait3A_371 : memref<!tpu.dma_semaphore, #tpu.memory_space<semaphore_mem>>) src(%dma_wait3A_369 : memref<1000000x64xf32, #tpu.memory_space<hbm>>) dst(%dma_wait3A_363 : memref<128x64xf32, #tpu.memory_space<vmem>>)
    %add3A_372 = arith.constant 13184 : i32
    %add3A_373 = arith.addi %mul3A_2, %add3A_372 : i32
    %dma_start3A_374 = arith.constant 7 : i32
    %dma_start3A_375 = arith.constant 7 : i32
    %dma_start3A_376 = arith.constant 0 : i32
    %dma_start3A_377 = arith.constant 0 : i32
    %dma_start3A_378 = tpu.memref_slice %arg6[%dma_start3A_374, %dma_start3A_376, %dma_start3A_377] : memref<8x128x64xf32, #tpu.memory_space<vmem>> -> memref<1x128x64xf32, #tpu.memory_space<vmem>>
    %dma_start3A_379 = tpu.memref_squeeze %dma_start3A_378 : memref<1x128x64xf32, #tpu.memory_space<vmem>> -> memref<128x64xf32, #tpu.memory_space<vmem>>
    %dma_start3A_380 = arith.constant 0 : i32
    %dma_start3A_381 = tpu.memref_slice %arg4[%add3A_373, %dma_start3A_380] : memref<425984x64xf32, #tpu.memory_space<hbm>> -> memref<128x64xf32, #tpu.memory_space<hbm>>
    %dma_start3A_382 = tpu.memref_slice %arg8[%dma_start3A_375] : memref<8x!tpu.dma_semaphore, #tpu.memory_space<semaphore_mem>> -> memref<1x!tpu.dma_semaphore, #tpu.memory_space<semaphore_mem>>
    %dma_start3A_383 = tpu.memref_squeeze %dma_start3A_382 : memref<1x!tpu.dma_semaphore, #tpu.memory_space<semaphore_mem>> -> memref<!tpu.dma_semaphore, #tpu.memory_space<semaphore_mem>>
    %dma_start3A_384 = arith.constant 0 : i32
    %dma_start3A_385 = tpu.memref_slice %arg4[%add3A_373, %dma_start3A_384] : memref<425984x64xf32, #tpu.memory_space<hbm>> -> memref<128x64xf32, #tpu.memory_space<hbm>>
    %dma_start3A_386 = arith.constant 0 : i32
    %dma_start3A_387 = arith.constant 0 : i32
    %dma_start3A_388 = tpu.memref_slice %arg6[%dma_start3A_374, %dma_start3A_386, %dma_start3A_387] : memref<8x128x64xf32, #tpu.memory_space<vmem>> -> memref<1x128x64xf32, #tpu.memory_space<vmem>>
    %dma_start3A_389 = tpu.memref_squeeze %dma_start3A_388 : memref<1x128x64xf32, #tpu.memory_space<vmem>> -> memref<128x64xf32, #tpu.memory_space<vmem>>
    tpu.enqueue_dma source(%dma_start3A_389 : memref<128x64xf32, #tpu.memory_space<vmem>>) target(%dma_start3A_385 : memref<128x64xf32, #tpu.memory_space<hbm>>) target_semaphore(%dma_start3A_383 : memref<!tpu.dma_semaphore, #tpu.memory_space<semaphore_mem>>)
    %add3A_390 = arith.constant 12288 : i32
    %add3A_391 = arith.addi %mul3A_2, %add3A_390 : i32
    %dma_wait3A_392 = arith.constant 0 : i32
    %dma_wait3A_393 = arith.constant 0 : i32
    %dma_wait3A_394 = arith.constant 0 : i32
    %dma_wait3A_395 = arith.constant 0 : i32
    %dma_wait3A_396 = tpu.memref_slice %arg6[%dma_wait3A_392, %dma_wait3A_394, %dma_wait3A_395] : memref<8x128x64xf32, #tpu.memory_space<vmem>> -> memref<1x128x64xf32, #tpu.memory_space<vmem>>
    %dma_wait3A_397 = tpu.memref_squeeze %dma_wait3A_396 : memref<1x128x64xf32, #tpu.memory_space<vmem>> -> memref<128x64xf32, #tpu.memory_space<vmem>>
    %dma_wait3A_398 = arith.constant 0 : i32
    %dma_wait3A_399 = tpu.memref_slice %arg4[%add3A_391, %dma_wait3A_398] : memref<425984x64xf32, #tpu.memory_space<hbm>> -> memref<128x64xf32, #tpu.memory_space<hbm>>
    %dma_wait3A_400 = tpu.memref_slice %arg8[%dma_wait3A_393] : memref<8x!tpu.dma_semaphore, #tpu.memory_space<semaphore_mem>> -> memref<1x!tpu.dma_semaphore, #tpu.memory_space<semaphore_mem>>
    %dma_wait3A_401 = tpu.memref_squeeze %dma_wait3A_400 : memref<1x!tpu.dma_semaphore, #tpu.memory_space<semaphore_mem>> -> memref<!tpu.dma_semaphore, #tpu.memory_space<semaphore_mem>>
    %dma_wait3A_402 = arith.constant 0 : i32
    %dma_wait3A_403 = tpu.memref_slice %arg4[%add3A_391, %dma_wait3A_402] : memref<425984x64xf32, #tpu.memory_space<hbm>> -> memref<128x64xf32, #tpu.memory_space<hbm>>
    %dma_wait3A_404 = arith.constant 0 : i32
    %dma_wait3A_405 = arith.constant 0 : i32
    %dma_wait3A_406 = tpu.memref_slice %arg6[%dma_wait3A_392, %dma_wait3A_404, %dma_wait3A_405] : memref<8x128x64xf32, #tpu.memory_space<vmem>> -> memref<1x128x64xf32, #tpu.memory_space<vmem>>
    %dma_wait3A_407 = tpu.memref_squeeze %dma_wait3A_406 : memref<1x128x64xf32, #tpu.memory_space<vmem>> -> memref<128x64xf32, #tpu.memory_space<vmem>>
    tpu.wait_dma2 semaphore(%dma_wait3A_401 : memref<!tpu.dma_semaphore, #tpu.memory_space<semaphore_mem>>) src(%dma_wait3A_407 : memref<128x64xf32, #tpu.memory_space<vmem>>) dst(%dma_wait3A_403 : memref<128x64xf32, #tpu.memory_space<hbm>>)
    %add3A_408 = arith.constant 12416 : i32
    %add3A_409 = arith.addi %mul3A_2, %add3A_408 : i32
    %dma_wait3A_410 = arith.constant 1 : i32
    %dma_wait3A_411 = arith.constant 1 : i32
    %dma_wait3A_412 = arith.constant 0 : i32
    %dma_wait3A_413 = arith.constant 0 : i32
    %dma_wait3A_414 = tpu.memref_slice %arg6[%dma_wait3A_410, %dma_wait3A_412, %dma_wait3A_413] : memref<8x128x64xf32, #tpu.memory_space<vmem>> -> memref<1x128x64xf32, #tpu.memory_space<vmem>>
    %dma_wait3A_415 = tpu.memref_squeeze %dma_wait3A_414 : memref<1x128x64xf32, #tpu.memory_space<vmem>> -> memref<128x64xf32, #tpu.memory_space<vmem>>
    %dma_wait3A_416 = arith.constant 0 : i32
    %dma_wait3A_417 = tpu.memref_slice %arg4[%add3A_409, %dma_wait3A_416] : memref<425984x64xf32, #tpu.memory_space<hbm>> -> memref<128x64xf32, #tpu.memory_space<hbm>>
    %dma_wait3A_418 = tpu.memref_slice %arg8[%dma_wait3A_411] : memref<8x!tpu.dma_semaphore, #tpu.memory_space<semaphore_mem>> -> memref<1x!tpu.dma_semaphore, #tpu.memory_space<semaphore_mem>>
    %dma_wait3A_419 = tpu.memref_squeeze %dma_wait3A_418 : memref<1x!tpu.dma_semaphore, #tpu.memory_space<semaphore_mem>> -> memref<!tpu.dma_semaphore, #tpu.memory_space<semaphore_mem>>
    %dma_wait3A_420 = arith.constant 0 : i32
    %dma_wait3A_421 = tpu.memref_slice %arg4[%add3A_409, %dma_wait3A_420] : memref<425984x64xf32, #tpu.memory_space<hbm>> -> memref<128x64xf32, #tpu.memory_space<hbm>>
    %dma_wait3A_422 = arith.constant 0 : i32
    %dma_wait3A_423 = arith.constant 0 : i32
    %dma_wait3A_424 = tpu.memref_slice %arg6[%dma_wait3A_410, %dma_wait3A_422, %dma_wait3A_423] : memref<8x128x64xf32, #tpu.memory_space<vmem>> -> memref<1x128x64xf32, #tpu.memory_space<vmem>>
    %dma_wait3A_425 = tpu.memref_squeeze %dma_wait3A_424 : memref<1x128x64xf32, #tpu.memory_space<vmem>> -> memref<128x64xf32, #tpu.memory_space<vmem>>
    tpu.wait_dma2 semaphore(%dma_wait3A_419 : memref<!tpu.dma_semaphore, #tpu.memory_space<semaphore_mem>>) src(%dma_wait3A_425 : memref<128x64xf32, #tpu.memory_space<vmem>>) dst(%dma_wait3A_421 : memref<128x64xf32, #tpu.memory_space<hbm>>)
    %add3A_426 = arith.constant 12544 : i32
    %add3A_427 = arith.addi %mul3A_2, %add3A_426 : i32
    %dma_wait3A_428 = arith.constant 2 : i32
    %dma_wait3A_429 = arith.constant 2 : i32
    %dma_wait3A_430 = arith.constant 0 : i32
    %dma_wait3A_431 = arith.constant 0 : i32
    %dma_wait3A_432 = tpu.memref_slice %arg6[%dma_wait3A_428, %dma_wait3A_430, %dma_wait3A_431] : memref<8x128x64xf32, #tpu.memory_space<vmem>> -> memref<1x128x64xf32, #tpu.memory_space<vmem>>
    %dma_wait3A_433 = tpu.memref_squeeze %dma_wait3A_432 : memref<1x128x64xf32, #tpu.memory_space<vmem>> -> memref<128x64xf32, #tpu.memory_space<vmem>>
    %dma_wait3A_434 = arith.constant 0 : i32
    %dma_wait3A_435 = tpu.memref_slice %arg4[%add3A_427, %dma_wait3A_434] : memref<425984x64xf32, #tpu.memory_space<hbm>> -> memref<128x64xf32, #tpu.memory_space<hbm>>
    %dma_wait3A_436 = tpu.memref_slice %arg8[%dma_wait3A_429] : memref<8x!tpu.dma_semaphore, #tpu.memory_space<semaphore_mem>> -> memref<1x!tpu.dma_semaphore, #tpu.memory_space<semaphore_mem>>
    %dma_wait3A_437 = tpu.memref_squeeze %dma_wait3A_436 : memref<1x!tpu.dma_semaphore, #tpu.memory_space<semaphore_mem>> -> memref<!tpu.dma_semaphore, #tpu.memory_space<semaphore_mem>>
    %dma_wait3A_438 = arith.constant 0 : i32
    %dma_wait3A_439 = tpu.memref_slice %arg4[%add3A_427, %dma_wait3A_438] : memref<425984x64xf32, #tpu.memory_space<hbm>> -> memref<128x64xf32, #tpu.memory_space<hbm>>
    %dma_wait3A_440 = arith.constant 0 : i32
    %dma_wait3A_441 = arith.constant 0 : i32
    %dma_wait3A_442 = tpu.memref_slice %arg6[%dma_wait3A_428, %dma_wait3A_440, %dma_wait3A_441] : memref<8x128x64xf32, #tpu.memory_space<vmem>> -> memref<1x128x64xf32, #tpu.memory_space<vmem>>
    %dma_wait3A_443 = tpu.memref_squeeze %dma_wait3A_442 : memref<1x128x64xf32, #tpu.memory_space<vmem>> -> memref<128x64xf32, #tpu.memory_space<vmem>>
    tpu.wait_dma2 semaphore(%dma_wait3A_437 : memref<!tpu.dma_semaphore, #tpu.memory_space<semaphore_mem>>) src(%dma_wait3A_443 : memref<128x64xf32, #tpu.memory_space<vmem>>) dst(%dma_wait3A_439 : memref<128x64xf32, #tpu.memory_space<hbm>>)
    %add3A_444 = arith.constant 12672 : i32
    %add3A_445 = arith.addi %mul3A_2, %add3A_444 : i32
    %dma_wait3A_446 = arith.constant 3 : i32
    %dma_wait3A_447 = arith.constant 3 : i32
    %dma_wait3A_448 = arith.constant 0 : i32
    %dma_wait3A_449 = arith.constant 0 : i32
    %dma_wait3A_450 = tpu.memref_slice %arg6[%dma_wait3A_446, %dma_wait3A_448, %dma_wait3A_449] : memref<8x128x64xf32, #tpu.memory_space<vmem>> -> memref<1x128x64xf32, #tpu.memory_space<vmem>>
    %dma_wait3A_451 = tpu.memref_squeeze %dma_wait3A_450 : memref<1x128x64xf32, #tpu.memory_space<vmem>> -> memref<128x64xf32, #tpu.memory_space<vmem>>
    %dma_wait3A_452 = arith.constant 0 : i32
    %dma_wait3A_453 = tpu.memref_slice %arg4[%add3A_445, %dma_wait3A_452] : memref<425984x64xf32, #tpu.memory_space<hbm>> -> memref<128x64xf32, #tpu.memory_space<hbm>>
    %dma_wait3A_454 = tpu.memref_slice %arg8[%dma_wait3A_447] : memref<8x!tpu.dma_semaphore, #tpu.memory_space<semaphore_mem>> -> memref<1x!tpu.dma_semaphore, #tpu.memory_space<semaphore_mem>>
    %dma_wait3A_455 = tpu.memref_squeeze %dma_wait3A_454 : memref<1x!tpu.dma_semaphore, #tpu.memory_space<semaphore_mem>> -> memref<!tpu.dma_semaphore, #tpu.memory_space<semaphore_mem>>
    %dma_wait3A_456 = arith.constant 0 : i32
    %dma_wait3A_457 = tpu.memref_slice %arg4[%add3A_445, %dma_wait3A_456] : memref<425984x64xf32, #tpu.memory_space<hbm>> -> memref<128x64xf32, #tpu.memory_space<hbm>>
    %dma_wait3A_458 = arith.constant 0 : i32
    %dma_wait3A_459 = arith.constant 0 : i32
    %dma_wait3A_460 = tpu.memref_slice %arg6[%dma_wait3A_446, %dma_wait3A_458, %dma_wait3A_459] : memref<8x128x64xf32, #tpu.memory_space<vmem>> -> memref<1x128x64xf32, #tpu.memory_space<vmem>>
    %dma_wait3A_461 = tpu.memref_squeeze %dma_wait3A_460 : memref<1x128x64xf32, #tpu.memory_space<vmem>> -> memref<128x64xf32, #tpu.memory_space<vmem>>
    tpu.wait_dma2 semaphore(%dma_wait3A_455 : memref<!tpu.dma_semaphore, #tpu.memory_space<semaphore_mem>>) src(%dma_wait3A_461 : memref<128x64xf32, #tpu.memory_space<vmem>>) dst(%dma_wait3A_457 : memref<128x64xf32, #tpu.memory_space<hbm>>)
    %add3A_462 = arith.constant 12800 : i32
    %add3A_463 = arith.addi %mul3A_2, %add3A_462 : i32
    %dma_wait3A_464 = arith.constant 4 : i32
    %dma_wait3A_465 = arith.constant 4 : i32
    %dma_wait3A_466 = arith.constant 0 : i32
    %dma_wait3A_467 = arith.constant 0 : i32
    %dma_wait3A_468 = tpu.memref_slice %arg6[%dma_wait3A_464, %dma_wait3A_466, %dma_wait3A_467] : memref<8x128x64xf32, #tpu.memory_space<vmem>> -> memref<1x128x64xf32, #tpu.memory_space<vmem>>
    %dma_wait3A_469 = tpu.memref_squeeze %dma_wait3A_468 : memref<1x128x64xf32, #tpu.memory_space<vmem>> -> memref<128x64xf32, #tpu.memory_space<vmem>>
    %dma_wait3A_470 = arith.constant 0 : i32
    %dma_wait3A_471 = tpu.memref_slice %arg4[%add3A_463, %dma_wait3A_470] : memref<425984x64xf32, #tpu.memory_space<hbm>> -> memref<128x64xf32, #tpu.memory_space<hbm>>
    %dma_wait3A_472 = tpu.memref_slice %arg8[%dma_wait3A_465] : memref<8x!tpu.dma_semaphore, #tpu.memory_space<semaphore_mem>> -> memref<1x!tpu.dma_semaphore, #tpu.memory_space<semaphore_mem>>
    %dma_wait3A_473 = tpu.memref_squeeze %dma_wait3A_472 : memref<1x!tpu.dma_semaphore, #tpu.memory_space<semaphore_mem>> -> memref<!tpu.dma_semaphore, #tpu.memory_space<semaphore_mem>>
    %dma_wait3A_474 = arith.constant 0 : i32
    %dma_wait3A_475 = tpu.memref_slice %arg4[%add3A_463, %dma_wait3A_474] : memref<425984x64xf32, #tpu.memory_space<hbm>> -> memref<128x64xf32, #tpu.memory_space<hbm>>
    %dma_wait3A_476 = arith.constant 0 : i32
    %dma_wait3A_477 = arith.constant 0 : i32
    %dma_wait3A_478 = tpu.memref_slice %arg6[%dma_wait3A_464, %dma_wait3A_476, %dma_wait3A_477] : memref<8x128x64xf32, #tpu.memory_space<vmem>> -> memref<1x128x64xf32, #tpu.memory_space<vmem>>
    %dma_wait3A_479 = tpu.memref_squeeze %dma_wait3A_478 : memref<1x128x64xf32, #tpu.memory_space<vmem>> -> memref<128x64xf32, #tpu.memory_space<vmem>>
    tpu.wait_dma2 semaphore(%dma_wait3A_473 : memref<!tpu.dma_semaphore, #tpu.memory_space<semaphore_mem>>) src(%dma_wait3A_479 : memref<128x64xf32, #tpu.memory_space<vmem>>) dst(%dma_wait3A_475 : memref<128x64xf32, #tpu.memory_space<hbm>>)
    %add3A_480 = arith.constant 12928 : i32
    %add3A_481 = arith.addi %mul3A_2, %add3A_480 : i32
    %dma_wait3A_482 = arith.constant 5 : i32
    %dma_wait3A_483 = arith.constant 5 : i32
    %dma_wait3A_484 = arith.constant 0 : i32
    %dma_wait3A_485 = arith.constant 0 : i32
    %dma_wait3A_486 = tpu.memref_slice %arg6[%dma_wait3A_482, %dma_wait3A_484, %dma_wait3A_485] : memref<8x128x64xf32, #tpu.memory_space<vmem>> -> memref<1x128x64xf32, #tpu.memory_space<vmem>>
    %dma_wait3A_487 = tpu.memref_squeeze %dma_wait3A_486 : memref<1x128x64xf32, #tpu.memory_space<vmem>> -> memref<128x64xf32, #tpu.memory_space<vmem>>
    %dma_wait3A_488 = arith.constant 0 : i32
    %dma_wait3A_489 = tpu.memref_slice %arg4[%add3A_481, %dma_wait3A_488] : memref<425984x64xf32, #tpu.memory_space<hbm>> -> memref<128x64xf32, #tpu.memory_space<hbm>>
    %dma_wait3A_490 = tpu.memref_slice %arg8[%dma_wait3A_483] : memref<8x!tpu.dma_semaphore, #tpu.memory_space<semaphore_mem>> -> memref<1x!tpu.dma_semaphore, #tpu.memory_space<semaphore_mem>>
    %dma_wait3A_491 = tpu.memref_squeeze %dma_wait3A_490 : memref<1x!tpu.dma_semaphore, #tpu.memory_space<semaphore_mem>> -> memref<!tpu.dma_semaphore, #tpu.memory_space<semaphore_mem>>
    %dma_wait3A_492 = arith.constant 0 : i32
    %dma_wait3A_493 = tpu.memref_slice %arg4[%add3A_481, %dma_wait3A_492] : memref<425984x64xf32, #tpu.memory_space<hbm>> -> memref<128x64xf32, #tpu.memory_space<hbm>>
    %dma_wait3A_494 = arith.constant 0 : i32
    %dma_wait3A_495 = arith.constant 0 : i32
    %dma_wait3A_496 = tpu.memref_slice %arg6[%dma_wait3A_482, %dma_wait3A_494, %dma_wait3A_495] : memref<8x128x64xf32, #tpu.memory_space<vmem>> -> memref<1x128x64xf32, #tpu.memory_space<vmem>>
    %dma_wait3A_497 = tpu.memref_squeeze %dma_wait3A_496 : memref<1x128x64xf32, #tpu.memory_space<vmem>> -> memref<128x64xf32, #tpu.memory_space<vmem>>
    tpu.wait_dma2 semaphore(%dma_wait3A_491 : memref<!tpu.dma_semaphore, #tpu.memory_space<semaphore_mem>>) src(%dma_wait3A_497 : memref<128x64xf32, #tpu.memory_space<vmem>>) dst(%dma_wait3A_493 : memref<128x64xf32, #tpu.memory_space<hbm>>)
    %add3A_498 = arith.constant 13056 : i32
    %add3A_499 = arith.addi %mul3A_2, %add3A_498 : i32
    %dma_wait3A_500 = arith.constant 6 : i32
    %dma_wait3A_501 = arith.constant 6 : i32
    %dma_wait3A_502 = arith.constant 0 : i32
    %dma_wait3A_503 = arith.constant 0 : i32
    %dma_wait3A_504 = tpu.memref_slice %arg6[%dma_wait3A_500, %dma_wait3A_502, %dma_wait3A_503] : memref<8x128x64xf32, #tpu.memory_space<vmem>> -> memref<1x128x64xf32, #tpu.memory_space<vmem>>
    %dma_wait3A_505 = tpu.memref_squeeze %dma_wait3A_504 : memref<1x128x64xf32, #tpu.memory_space<vmem>> -> memref<128x64xf32, #tpu.memory_space<vmem>>
    %dma_wait3A_506 = arith.constant 0 : i32
    %dma_wait3A_507 = tpu.memref_slice %arg4[%add3A_499, %dma_wait3A_506] : memref<425984x64xf32, #tpu.memory_space<hbm>> -> memref<128x64xf32, #tpu.memory_space<hbm>>
    %dma_wait3A_508 = tpu.memref_slice %arg8[%dma_wait3A_501] : memref<8x!tpu.dma_semaphore, #tpu.memory_space<semaphore_mem>> -> memref<1x!tpu.dma_semaphore, #tpu.memory_space<semaphore_mem>>
    %dma_wait3A_509 = tpu.memref_squeeze %dma_wait3A_508 : memref<1x!tpu.dma_semaphore, #tpu.memory_space<semaphore_mem>> -> memref<!tpu.dma_semaphore, #tpu.memory_space<semaphore_mem>>
    %dma_wait3A_510 = arith.constant 0 : i32
    %dma_wait3A_511 = tpu.memref_slice %arg4[%add3A_499, %dma_wait3A_510] : memref<425984x64xf32, #tpu.memory_space<hbm>> -> memref<128x64xf32, #tpu.memory_space<hbm>>
    %dma_wait3A_512 = arith.constant 0 : i32
    %dma_wait3A_513 = arith.constant 0 : i32
    %dma_wait3A_514 = tpu.memref_slice %arg6[%dma_wait3A_500, %dma_wait3A_512, %dma_wait3A_513] : memref<8x128x64xf32, #tpu.memory_space<vmem>> -> memref<1x128x64xf32, #tpu.memory_space<vmem>>
    %dma_wait3A_515 = tpu.memref_squeeze %dma_wait3A_514 : memref<1x128x64xf32, #tpu.memory_space<vmem>> -> memref<128x64xf32, #tpu.memory_space<vmem>>
    tpu.wait_dma2 semaphore(%dma_wait3A_509 : memref<!tpu.dma_semaphore, #tpu.memory_space<semaphore_mem>>) src(%dma_wait3A_515 : memref<128x64xf32, #tpu.memory_space<vmem>>) dst(%dma_wait3A_511 : memref<128x64xf32, #tpu.memory_space<hbm>>)
    %add3A_516 = arith.constant 13184 : i32
    %add3A_517 = arith.addi %mul3A_2, %add3A_516 : i32
    %dma_wait3A_518 = arith.constant 7 : i32
    %dma_wait3A_519 = arith.constant 7 : i32
    %dma_wait3A_520 = arith.constant 0 : i32
    %dma_wait3A_521 = arith.constant 0 : i32
    %dma_wait3A_522 = tpu.memref_slice %arg6[%dma_wait3A_518, %dma_wait3A_520, %dma_wait3A_521] : memref<8x128x64xf32, #tpu.memory_space<vmem>> -> memref<1x128x64xf32, #tpu.memory_space<vmem>>
    %dma_wait3A_523 = tpu.memref_squeeze %dma_wait3A_522 : memref<1x128x64xf32, #tpu.memory_space<vmem>> -> memref<128x64xf32, #tpu.memory_space<vmem>>
    %dma_wait3A_524 = arith.constant 0 : i32
    %dma_wait3A_525 = tpu.memref_slice %arg4[%add3A_517, %dma_wait3A_524] : memref<425984x64xf32, #tpu.memory_space<hbm>> -> memref<128x64xf32, #tpu.memory_space<hbm>>
    %dma_wait3A_526 = tpu.memref_slice %arg8[%dma_wait3A_519] : memref<8x!tpu.dma_semaphore, #tpu.memory_space<semaphore_mem>> -> memref<1x!tpu.dma_semaphore, #tpu.memory_space<semaphore_mem>>
    %dma_wait3A_527 = tpu.memref_squeeze %dma_wait3A_526 : memref<1x!tpu.dma_semaphore, #tpu.memory_space<semaphore_mem>> -> memref<!tpu.dma_semaphore, #tpu.memory_space<semaphore_mem>>
    %dma_wait3A_528 = arith.constant 0 : i32
    %dma_wait3A_529 = tpu.memref_slice %arg4[%add3A_517, %dma_wait3A_528] : memref<425984x64xf32, #tpu.memory_space<hbm>> -> memref<128x64xf32, #tpu.memory_space<hbm>>
    %dma_wait3A_530 = arith.constant 0 : i32
    %dma_wait3A_531 = arith.constant 0 : i32
    %dma_wait3A_532 = tpu.memref_slice %arg6[%dma_wait3A_518, %dma_wait3A_530, %dma_wait3A_531] : memref<8x128x64xf32, #tpu.memory_space<vmem>> -> memref<1x128x64xf32, #tpu.memory_space<vmem>>
    %dma_wait3A_533 = tpu.memref_squeeze %dma_wait3A_532 : memref<1x128x64xf32, #tpu.memory_space<vmem>> -> memref<128x64xf32, #tpu.memory_space<vmem>>
    tpu.wait_dma2 semaphore(%dma_wait3A_527 : memref<!tpu.dma_semaphore, #tpu.memory_space<semaphore_mem>>) src(%dma_wait3A_533 : memref<128x64xf32, #tpu.memory_space<vmem>>) dst(%dma_wait3A_529 : memref<128x64xf32, #tpu.memory_space<hbm>>)
    return
  }
}

</mosaic_0001>

<sc_bundles>
// kernel: kernel.3.cloned.1.call-start
scs
__scs_entry_jumppad:
0x0: {  	(pc) =	sbr.rel $0x88, $3  }
0x1: {  	(tag) =	ssettag $0x0;
	lr =	simm.s32 $0x1  }
0x2: {  	[smem:$0x3F9F] =	sst lr;
	_ =	strace $0xD0000000  }
0x3: {  	_ = 	snop  }
0x4: {  	_ = 	snop  }
0x5: {  	_ = 	snop  }
0x6: {  	_ = 	snop  }
0x7: {  	_ = 	snop  }
__scs_overlays_trampoline_lowered:
0x8: {  	[smem:$0x3FAE] =	sst s0  }
0x9: {  	[smem:$0x3FAF] =	sst s1  }
0xa: {  	[smem:$0x3FB0] =	sst s2  }
0xb: {  	[smem:$0x3FB1] =	sst s3  }
0xc: {  	[smem:$0x3FB2] =	sst s4  }
0xd: {  	[smem:$0x3FB3] =	sst s5  }
0xe: {  	[smem:$0x3FB4] =	sst s6  }
0xf: {  	[smem:$0x3FB5] =	sst s7  }
0x10: {  	[smem:$0x3FB6] =	sst s8  }
0x11: {  	[smem:$0x3FB7] =	sst s9;
	s0 =	simm.s32 @!p0 $0x0  }
0x12: {  	s1 =	sld [smem:$0x3F9D];
	s0 =	simm.s32 @p0 $0x1  }
0x13: {  	[smem:$0x3FB8] =	sst s0;
	s0 =	simm.s32 @!p1 $0x0  }
0x14: {  	s2 =	sld [smem:$0x3F9C];
	s0 =	simm.s32 @p1 $0x1  }
0x15: {  	[smem:$0x3FB9] =	sst s0;
	s0 =	simm.s32 @!p2 $0x0  }
0x16: {  	s3 =	sld [smem:$0x3FDB];
	s0 =	simm.s32 @p2 $0x1  }
0x17: {  	s4 =	simm.s32 $0x1BF5;
	[smem:$0x3FBB] =	sst s0  }
0x18: {  	s0 =	sld [smem:$0x3F9E];
	_ =	swait.ge [sflag:s4], $0x0  }
0x19: {  	s7 =	sld [smem:$0x3F9F]  }
0x1a: {  	s8 =	sadd.s32 $0xFFFFE003, lr  }
0x1b: {  	s9 =	sadd.s32 $0xFFFFFEF7, lr;
	s5 =	simm.s32 $0xFFFFFFFF;
	p2 =	slt.u32 s8, $0xFFFFF086  }
0x1c: {  	p1 =	slt.u32 s9, $0xF7A;
	s5 =	simm.s32 @!p2 $0x0  }
0x1d: {  	s5 =	simm.s32 @p1 $0x1;
	p0 =	seq.s32 s7, s2  }
0x1e: {  	s7 =	smul.u32 @!p0 $0xF7A, s2;
	p2 =	seq.s32 @!p0 s5, $0x0  }
0x1f: {  	s9 =	smul.u32 $0xF7A, s1;
	s8 =	simm.s32 @!p0 $0x1BF5;
	p2 =	por !p2, p0  }
0x20: {  	[sflag:s8] =	ssyncset.s32 @!p0 $0xFFFFF086;
	s6 =	sadd.s32 @!p0 s3, s7;
	s7 =	simm.s32 @!p0 $0x108  }
0x21: {  	s3 =	sadd.s32 s3, s9;
	s6 =	sadd.s32 @!p0 $0x88, s6;
	s7 =	simm.s32 @p2 $0x1082  }
0x22: {  	[simem:s7], [sflag:s8] =	dma.local @!p0 [hbm:s6], $0xF7A  }
0x23: {  	s9 =	sor.u32 $0xD0000000, s2;
	s6 =	simm.s32 $0x108;
	_ =	swait.ge @!p0 [sflag:s8], $0x0  }
0x24: {  	s3 =	sadd.s32 $0x88, s3;
	s6 =	simm.s32 @!p1 $0x1082;
	[sflag:s4] =	ssyncset.s32 $0xFFFFF086  }
0x25: {  	[simem:s6], [sflag:s4] =	dma.local [hbm:s3], $0xF7A  }
0x26: {  	[smem:$0x3F9F] =	sst s1;
	(tag) =	ssettag s2;
	_ =	strace s9  }
0x27: {  	s1 =	sld [smem:$0x3FAF]  }
0x28: {  	s2 =	sld [smem:$0x3FB0]  }
0x29: {  	s4 =	sld [smem:$0x3FB2]  }
0x2a: {  	p0 =	seq.s32 s5, $0x0;
	s5 =	sld [smem:$0x3FB3]  }
0x2b: {  	s6 =	sld [smem:$0x3FB4]  }
0x2c: {  	s7 =	sld [smem:$0x3FB5]  }
0x2d: {  	s3 =	simm.s32 $0x108;
	s8 =	sld [smem:$0x3FB6]  }
0x2e: {  	s3 =	simm.s32 @!p0 $0x1082;
	s9 =	sld [smem:$0x3FB7]  }
0x2f: {  	lr =	sadd.s32 s0, s3;
	s0 =	sld [smem:$0x3FAE]  }
0x30: {  	s3 =	sld [smem:$0x3FB1]  }
0x31: {  	[smem:$0x3FBA] =	sst s10  }
0x32: {  	s10 =	sld [smem:$0x3FB8];
	_ =	sdelay $0x3  }
0x33: {  	p0 =	seq.s32 s10, $0x1;
	s10 =	sld [smem:$0x3FBA];
	_ =	sdelay $0x3  }
0x34: {  	[smem:$0x3FBA] =	sst s10  }
0x35: {  	s10 =	sld [smem:$0x3FB9];
	_ =	sdelay $0x3  }
0x36: {  	p1 =	seq.s32 s10, $0x1;
	s10 =	sld [smem:$0x3FBA];
	_ =	sdelay $0x3  }
0x37: {  	[smem:$0x3FBA] =	sst s10  }
0x38: {  	s10 =	sld [smem:$0x3FBB]  }
0x39: {  	_ = 	snop;
	(pc) =	sbr.ind lr, $3  }
0x3a: {  	_ = 	snop  }
0x3b: {  	_ = 	snop  }
0x3c: {  	p2 =	seq.s32 s10, $0x1;
	s10 =	sld [smem:$0x3FBA]  }
0x3d: {  	_ =	shalt  }
0x3e: {  	_ =	shalt  }
0x3f: {  	_ =	shalt  }
0x40: {  	_ =	shalt  }
0x41: {  	_ =	shalt  }
0x42: {  	_ =	shalt  }
0x43: {  	_ =	shalt  }
0x44: {  	_ =	shalt  }
0x45: {  	_ =	shalt  }
0x46: {  	_ =	shalt  }
0x47: {  	_ =	shalt  }
0x48: {  	_ =	shalt  }
0x49: {  	_ =	shalt  }
0x4a: {  	_ =	shalt  }
0x4b: {  	_ =	shalt  }
0x4c: {  	_ =	shalt  }
0x4d: {  	_ =	shalt  }
0x4e: {  	_ =	shalt  }
0x4f: {  	_ =	shalt  }
0x50: {  	_ =	shalt  }
0x51: {  	_ =	shalt  }
0x52: {  	_ =	shalt  }
0x53: {  	_ =	shalt  }
0x54: {  	_ =	shalt  }
0x55: {  	_ =	shalt  }
0x56: {  	_ =	shalt  }
0x57: {  	_ =	shalt  }
0x58: {  	_ =	shalt  }
0x59: {  	_ =	shalt  }
0x5a: {  	_ =	shalt  }
0x5b: {  	_ =	shalt  }
0x5c: {  	_ =	shalt  }
0x5d: {  	_ =	shalt  }
0x5e: {  	_ =	shalt  }
0x5f: {  	_ =	shalt  }
0x60: {  	_ =	shalt  }
0x61: {  	_ =	shalt  }
0x62: {  	_ =	shalt  }
0x63: {  	_ =	shalt  }
0x64: {  	_ =	shalt  }
0x65: {  	_ =	shalt  }
0x66: {  	_ =	shalt  }
0x67: {  	_ =	shalt  }
0x68: {  	_ =	shalt  }
0x69: {  	_ =	shalt  }
0x6a: {  	_ =	shalt  }
0x6b: {  	_ =	shalt  }
0x6c: {  	_ =	shalt  }
0x6d: {  	_ =	shalt  }
0x6e: {  	_ =	shalt  }
0x6f: {  	_ =	shalt  }
0x70: {  	_ =	shalt  }
0x71: {  	_ =	shalt  }
0x72: {  	_ =	shalt  }
0x73: {  	_ =	shalt  }
0x74: {  	_ =	shalt  }
0x75: {  	_ =	shalt  }
0x76: {  	_ =	shalt  }
0x77: {  	_ =	shalt  }
0x78: {  	_ =	shalt  }
0x79: {  	_ =	shalt  }
0x7a: {  	_ =	shalt  }
0x7b: {  	_ =	shalt  }
0x7c: {  	_ =	shalt  }
0x7d: {  	_ =	shalt  }
0x7e: {  	_ =	shalt  }
0x7f: {  	_ =	shalt  }
0x80: {  	_ =	shalt  }
0x81: {  	_ =	shalt  }
0x82: {  	_ =	shalt  }
0x83: {  	_ =	shalt  }
0x84: {  	_ =	shalt  }
0x85: {  	_ =	shalt  }
0x86: {  	_ =	shalt  }
0x87: {  	_ =	shalt  }
.Lfunc_end0:
.L_simem_size_0:
called_computation.1_lowered:
.L_overlay_start_0:
0x88: {  	s2 =	sld [smem:$0x3FD9]  }
0x89: {  	s3 =	sld [smem:$0x3FFE];
	_ =	sdelay $0x1  }
0x8a: {  	s1 =	srdreg.scid  }
0x8b: {  	s0 =	sand.u32 $0x1, s1  }
0x8c: {  	s17 =	sshll.u32 s0, $0xA;
	s2 =	sadd.s32 s3, s2  }
0x8d: {  	s2 =	sadd.s32 s2, s17  }
0x8e: {  	[smem:$0x3FC6] =	sst s2  }
0x8f: {  	_ = 	snop  }
0x90: {  	s2 =	sld [smem:$0x3FD0];
	(tm) =	ssettm $0x1  }
0x91: {  	s18 =	sld [smem:$0x3FFB];
	_ =	sdelay $0x3  }
0x92: {  	_ =	strace s18  }
0x93: {  	s3 =	sld [smem:$0x3FFC];
	_ =	sdelay $0x3  }
0x94: {  	_ =	strace s3  }
0x95: {  	s3 =	sld [smem:$0x3FFD];
	_ =	sdelay $0x3  }
0x96: {  	_ =	strace s3  }
0x97: {  	_ =	strace $0x8FFFFFFF  }
0x98: {  	s19 =	sld [smem:$0x3FDB];
	_ =	sdelay $0x1  }
0x99: {  	s4 =	simm.s32 $_scs_section_size  }
0x9a: {  	s5 =	simm.s32 $_size__tile_overlayer_lowered;
	s6 =	simm.s32 $_tile_overlayer_lowered  }
0x9b: {  	s22 =	simm.s32 $0x1BFF;
	s21 =	sshll.u32 s6, $0x1;
	s3 =	sadd.s32 s4, s19  }
0x9c: {  	s7 =	simm.s32 $0x0;
	s20 =	sshll.u32 s5, $0x1;
	s5 =	sadd.s32 s21, s3  }
0x9d: {  	[timem:s7], [sflag:s22] =	dma.local [hbm:s5], s20  }
0x9e: {  	_ =	swait.ge [sflag:s22], s20  }
0x9f: {  	s4 =	ssub.s32 $0x0, s20;
	[sflag:s22] =	ssyncset.done $0x0  }
0xa0: {  	[sflag:s22] =	ssyncadd.s32 s4;
	_ =	sdelay $0x1  }
0xa1: {  	s23 =	simm.s32 $0x1B8B  }
0xa2: {  	_ =	swait.ge [sflag:s23], $0x1  }
0xa3: {  	[sflag:s23] =	ssyncset.done $0x0  }
0xa4: {  	s25 =	simm.s32 $0x1B8E;
	s24 =	sld [smem:$0x3FFE];
	[sflag:s23] =	ssyncadd.s32 $0xFFFFFFFF  }
0xa5: {  	s26 =	simm.s32 $execute0_lowered;
	[smem:$0x3FD2] =	sst s25  }
0xa6: {  	s5 =	sshll.u32 s26, $0x1;
	_ =	strace $0x80000046;
	[dreg:$0x1] =	wrdreg $0xFFFFFFFF  }
0xa7: {  	s28 =	simm.s32 $_size_execute0_lowered;
	s3 =	sadd.s32 s3, s5;
	[dreg:$0x0] =	wrdreg $0x0  }
0xa8: {  	s5 =	sshll.u32 s28, $0x1;
	[dreg:$0x2] =	wrdreg s3  }
0xa9: {  	[dreg:$0x3] =	wrdreg s5  }
0xaa: {  	[dreg:$0x4] =	wrdreg $0xC0  }
0xab: {  	_ =	task [dreg:s7], $0x5FFFF  }
0xac: {  	[dreg:$0x1] =	wrdreg $0xFFFFFFFF  }
0xad: {  	[dreg:$0x0] =	wrdreg $0x60  }
0xae: {  	[dreg:$0x2] =	wrdreg s24  }
0xaf: {  	[dreg:$0x3] =	wrdreg s2  }
0xb0: {  	[dreg:$0x4] =	wrdreg $0x9  }
0xb1: {  	_ =	task.clear_ibuf [dreg:s7], $0x5FFFF;
	_ =	strace $0x90000046  }
0xb2: {  	s29 =	simm.s32 $0x9;
	_ =	strace $0x80000048  }
0xb3: {  	_ =	swait.ge [sflag:s29], $0x1  }
0xb4: {  	[sflag:s29] =	ssyncadd.s32 $0xFFFFFFFF  }
0xb5: {  	_ =	strace $0x90000048  }
0xb6: {  	_ =	sfence  }
0xb7: {  	s30 =	sld [smem:$0x0];
	_ =	sdelay $0x2  }
0xb8: {  	s31 =	sshll.u32 s1, $0xD;
	s1 =	sshrl.u32 s1, $0x2  }
0xb9: {  	s3 =	sand.u32 $0x4000, s31;
	s1 =	sadd.s32 s1, s30  }
0xba: {  	s0 =	sor.u32 s3, s0;
	s1 =	sshll.u32 s1, $0x11  }
0xbb: {  	s0 =	sor.u32 s1, s0  }
0xbc: {  	s0 =	sadd.s32 $0x8F2B, s0  }
0xbd: {  	[sflag:s0] =	ssyncadd.remote.s32 $0x1  }
0xbe: {  	_ =	sfence.sel $0xFFFF  }
0xbf: {  	[dreg:$0x0] =	wrdreg $0xFFFFFFFF;
	(pc) =	sbr.abs _section_cstart, $3  }
0xc0: {  	[dreg:$0x1] =	wrdreg $0xFFFFFFFF  }
0xc1: {  	_ =	task.clear_ibuf [dreg:s7], $0x2FFFF;
	_ =	strace $0x9FFFFFFF  }
0xc2: {  	(tm) =	ssettm $0x7FFFFFFF  }
0xc3: {  	_ =	shalt  }
tec
execute0_lowered:
.L_overlay_start_1:
0x0: {  	(tag) =	ssettag $0x1  }
0x1: {  	s0 =	rddreg [dreg:$0x0]  }
0x2: {  	s1 =	srdreg.scid;
	s5 =	stileid.u32  }
0x3: {  	s10 =	rddreg [dreg:$0x1];
	s3 =	simm.s32 $0x0;
	s28 =	simm.s32 $0xD400  }
0x4: {  	s29 =	simm.s32 $0x2;
	s31 =	simm.s32 $0xF400;
	s30 =	simm.s32 $0xA  }
0x5: {  	s1 =	sand.u32 $0x1, s1;
	s2 =	sshll.u32 s5, $0x1;
	s5 =	smul.u32 $0x6800, s5  }
0x6: {  	s2 =	sor.u32 s1, s2;
	s6 =	ssub.s32 $0x2, s1;
	s1 =	smul.u32 $0x3400, s1  }
0x7: {  	s11 =	simm.s32 $0xE;
	[smem:$0x7FF] =	sst s3;
	s4 =	smul.u32 $0x3400, s2  }
0x8: {  	_ =	strace $0x80000047;
	s8 =	sshrl.u32 s6, $0x1;
	s9 =	smul.u32 $0x1A000, s2  }
0x9: {  	s2 =	smul.u32 $0xD0000, s2;
	s12 =	ssub.s32 s6, s8;
	s1 =	sadd.s32 s1, s5  }
0xa: {  	s5 =	simm.s32 $0xB;
	s8 =	simm.s32 $0xC;
	s14 =	sadd.s32 s10, s9  }
0xb: {  	s4 =	sshrl.u32 s4, $0x3;
	s15 =	sadd.s32 $0x400, s14;
	[dreg:$0xc] =	wrdreg s14  }
0xc: {  	s1 =	sshll.u32 s1, $0x3;
	s16 =	sadd.s32 $0x800, s14;
	[dreg:$0xd] =	wrdreg s15  }
0xd: {  	s2 =	sshrl.u32 s2, $0x3;
	s17 =	sor.u32 $0x1C00, s1;
	[dreg:$0xe] =	wrdreg s16  }
0xe: {  	s9 =	simm.s32 $0x8;
	s6 =	sadd.s32 $0xC00, s14;
	[dreg:$0x3] =	wrdreg s17  }
0xf: {  	s7 =	sadd.s32 s4, s0;
	s18 =	sor.u32 $0x1800, s1;
	[dreg:$0xf] =	wrdreg s6  }
0x10: {  	s4 =	sadd.s32 $0xF42E00, s0;
	s19 =	sor.u32 $0x1400, s1;
	[dreg:$0x4] =	wrdreg s18  }
0x11: {  	s20 =	sor.u32 $0x1000, s1;
	s2 =	sadd.s32 s10, s2;
	[dreg:$0x5] =	wrdreg s19  }
0x12: {  	s21 =	sadd.s32 $0x2C00, s1;
	s23 =	sadd.s32 $0x2800, s1;
	[dreg:$0x6] =	wrdreg s20  }
0x13: {  	s25 =	sadd.s32 $0x2400, s1;
	s1 =	sadd.s32 $0x2000, s1;
	[dreg:$0x7] =	wrdreg s21  }
0x14: {  	s0 =	smax.u32 s12, $0x1;
	s10 =	simm.s32 $0xD;
	[dreg:$0x8] =	wrdreg s23  }
0x15: {  	s12 =	simm.s32 $0xF;
	s13 =	sadd.s32 $0xA00, s7;
	[dreg:$0x9] =	wrdreg s25  }
0x16: {  	s22 =	sadd.s32 $0x19000, s2;
	s24 =	sadd.s32 $0x19400, s2;
	[dreg:$0x14] =	wrdreg s0  }
0x17: {  	s26 =	sadd.s32 $0x19800, s2;
	s2 =	sadd.s32 $0x19C00, s2;
	[dreg:$0xa] =	wrdreg s1  }
0x18: {  	s16 =	simm.s32 $0x80;
	s17 =	simm.s32 $0x3400;
	s18 =	simm.s32 $0x5400  }
0x19: {  	s20 =	simm.s32 $0x7400;
	s25 =	simm.s32 $0x1;
	[dreg:$0xb] =	wrdreg s13  }
0x1a: {  	s1 =	simm.s32 $0x3;
	s19 =	simm.s32 $0x11400;
	[dreg:$0x10] =	wrdreg s22  }
0x1b: {  	s21 =	simm.s32 $0x4;
	s23 =	simm.s32 $0x9;
	[dreg:$0x11] =	wrdreg s24  }
0x1c: {  	s0 =	simm.s32 $0x6;
	s7 =	simm.s32 $0x7;
	[dreg:$0x12] =	wrdreg s26  }
0x1d: {  	s6 =	simm.s32 $0x0;
	[dreg:$0x13] =	wrdreg s2;
	s22 =	simm.s32 $0x9400  }
0x1e: {  	s24 =	simm.s32 $0xB400;
	s26 =	simm.s32 $0x5;
	s13 =	simm.s32 $0x10  }
.LBB2_1:
0x1f: {  	[dreg:$0x15] =	wrdreg s6  }
0x20: {  	s2 =	rddreg [dreg:$0xb];
	s15 =	simm.s32 $0x11  }
0x21: {  	[tilespmem:s3], [sflag:$0x11] =	stream.linear.gather [hbm4b:s2+s3], $0x3400, $0x38;
	[tilespmem:$0x13400] =	vst v63  }
0x22: {  	_ =	swait.ge [sflag:s15], $0x3400  }
0x23: {  	[sflag:s15] =	ssyncset.done $0x0  }
0x24: {  	[sflag:s15] =	ssyncadd.s32 $0xFFFFCC00  }
0x25: {  	[tilespmem:s17], [sflag:$0x1] =	stream.indirect.gather [hbm4b:s4+s16], $0x40, s3, s16, $0xb8;
	[tilespmem:$0x13400] =	vst v63  }
0x26: {  	_ = 	snop  }
0x27: {  	[tilespmem:s18], [sflag:$0x2] =	stream.indirect.gather [hbm4b:s4+s16], $0x40, s16, s16, $0xb8;
	[tilespmem:$0x13400] =	vst v63  }
0x28: {  	s6 =	simm.s32 $0x100  }
0x29: {  	[tilespmem:s20], [sflag:$0x3] =	stream.indirect.gather [hbm4b:s4+s16], $0x40, s6, s16, $0xb8;
	[tilespmem:$0x13400] =	vst v63  }
0x2a: {  	s14 =	simm.s32 $0x180  }
0x2b: {  	[tilespmem:s22], [sflag:$0x4] =	stream.indirect.gather [hbm4b:s4+s16], $0x40, s14, s16, $0xb8;
	[tilespmem:$0x13400] =	vst v63  }
0x2c: {  	s15 =	simm.s32 $0x200  }
0x2d: {  	[tilespmem:s24], [sflag:$0x5] =	stream.indirect.gather [hbm4b:s4+s16], $0x40, s15, s16, $0xb8;
	[tilespmem:$0x13400] =	vst v63  }
0x2e: {  	_ =	swait.ge [sflag:s25], $0x2000  }
0x2f: {  	[sflag:s25] =	ssyncset.done $0x0  }
0x30: {  	s6 =	rddreg [dreg:$0xc];
	[sflag:s25] =	ssyncadd.s32 $0xFFFFE000  }
0x31: {  	[hbm4b:s6+s3] =	stream.linear.scatter [tilespmem:s17], [sflag:$0x9], $0x2000, $0x38;
	[tilespmem:$0x13400] =	vst v63  }
0x32: {  	s14 =	simm.s32 $0x280  }
0x33: {  	[tilespmem:s28], [sflag:$0x6] =	stream.indirect.gather [hbm4b:s4+s16], $0x40, s14, s16, $0xb8;
	[tilespmem:$0x13400] =	vst v63  }
0x34: {  	_ =	swait.ge [sflag:s29], $0x2000  }
0x35: {  	[sflag:s29] =	ssyncset.done $0x0  }
0x36: {  	s15 =	rddreg [dreg:$0xd];
	[sflag:s29] =	ssyncadd.s32 $0xFFFFE000  }
0x37: {  	[hbm4b:s15+s3] =	stream.linear.scatter [tilespmem:s18], [sflag:$0xA], $0x2000, $0x38;
	[tilespmem:$0x13400] =	vst v63  }
0x38: {  	s6 =	simm.s32 $0x300  }
0x39: {  	[tilespmem:s31], [sflag:$0x7] =	stream.indirect.gather [hbm4b:s4+s16], $0x40, s6, s16, $0xb8;
	[tilespmem:$0x13400] =	vst v63  }
0x3a: {  	_ =	swait.ge [sflag:s1], $0x2000  }
0x3b: {  	[sflag:s1] =	ssyncset.done $0x0  }
0x3c: {  	s14 =	rddreg [dreg:$0xe];
	[sflag:s1] =	ssyncadd.s32 $0xFFFFE000  }
0x3d: {  	[hbm4b:s14+s3] =	stream.linear.scatter [tilespmem:s20], [sflag:$0xB], $0x2000, $0x38;
	[tilespmem:$0x13400] =	vst v63  }
0x3e: {  	s15 =	simm.s32 $0x380  }
0x3f: {  	[tilespmem:s19], [sflag:$0x8] =	stream.indirect.gather [hbm4b:s4+s16], $0x40, s15, s16, $0xb8;
	[tilespmem:$0x13400] =	vst v63  }
0x40: {  	_ =	swait.ge [sflag:s21], $0x2000  }
0x41: {  	[sflag:s21] =	ssyncset.done $0x0  }
0x42: {  	s6 =	rddreg [dreg:$0xf];
	[sflag:s21] =	ssyncadd.s32 $0xFFFFE000  }
0x43: {  	[hbm4b:s6+s3] =	stream.linear.scatter [tilespmem:s22], [sflag:$0xC], $0x2000, $0x38;
	[tilespmem:$0x13400] =	vst v63  }
0x44: {  	_ =	swait.ge [sflag:s23], $0x2000  }
0x45: {  	[sflag:s23] =	ssyncset.done $0x0  }
0x46: {  	s14 =	simm.s32 $0x400;
	[sflag:s23] =	ssyncadd.s32 $0xFFFFE000  }
0x47: {  	[tilespmem:s17], [sflag:$0x1] =	stream.indirect.gather [hbm4b:s4+s16], $0x40, s14, s16, $0xb8;
	[tilespmem:$0x13400] =	vst v63  }
0x48: {  	_ =	swait.ge [sflag:s26], $0x2000  }
0x49: {  	[sflag:s26] =	ssyncset.done $0x0  }
0x4a: {  	s15 =	rddreg [dreg:$0x6];
	[sflag:s26] =	ssyncadd.s32 $0xFFFFE000  }
0x4b: {  	s14 =	rddreg [dreg:$0x1]  }
0x4c: {  	s2 =	sadd.s32 s14, s15  }
0x4d: {  	[hbm4b:s2+s3] =	stream.linear.scatter [tilespmem:s24], [sflag:$0xD], $0x2000, $0x38;
	[tilespmem:$0x13400] =	vst v63  }
0x4e: {  	_ =	swait.ge [sflag:s30], $0x2000  }
0x4f: {  	[sflag:s30] =	ssyncset.done $0x0  }
0x50: {  	s6 =	simm.s32 $0x480;
	[sflag:s30] =	ssyncadd.s32 $0xFFFFE000  }
0x51: {  	[tilespmem:s18], [sflag:$0x2] =	stream.indirect.gather [hbm4b:s4+s16], $0x40, s6, s16, $0xb8;
	[tilespmem:$0x13400] =	vst v63  }
0x52: {  	_ =	swait.ge [sflag:s0], $0x2000  }
0x53: {  	s15 =	rddreg [dreg:$0x5];
	[sflag:s0] =	ssyncset.done $0x0  }
0x54: {  	[sflag:s0] =	ssyncadd.s32 $0xFFFFE000;
	s2 =	sadd.s32 s14, s15  }
0x55: {  	[hbm4b:s2+s3] =	stream.linear.scatter [tilespmem:s28], [sflag:$0xE], $0x2000, $0x38;
	[tilespmem:$0x13400] =	vst v63  }
0x56: {  	_ =	swait.ge [sflag:s5], $0x2000  }
0x57: {  	[sflag:s5] =	ssyncset.done $0x0  }
0x58: {  	s6 =	simm.s32 $0x500;
	[sflag:s5] =	ssyncadd.s32 $0xFFFFE000  }
0x59: {  	[tilespmem:s20], [sflag:$0x3] =	stream.indirect.gather [hbm4b:s4+s16], $0x40, s6, s16, $0xb8;
	[tilespmem:$0x13400] =	vst v63  }
0x5a: {  	_ =	swait.ge [sflag:s7], $0x2000  }
0x5b: {  	s15 =	rddreg [dreg:$0x4];
	[sflag:s7] =	ssyncset.done $0x0  }
0x5c: {  	[sflag:s7] =	ssyncadd.s32 $0xFFFFE000;
	s2 =	sadd.s32 s14, s15  }
0x5d: {  	[hbm4b:s2+s3] =	stream.linear.scatter [tilespmem:s31], [sflag:$0xF], $0x2000, $0x38;
	[tilespmem:$0x13400] =	vst v63  }
0x5e: {  	_ =	swait.ge [sflag:s8], $0x2000  }
0x5f: {  	[sflag:s8] =	ssyncset.done $0x0  }
0x60: {  	s6 =	simm.s32 $0x580;
	[sflag:s8] =	ssyncadd.s32 $0xFFFFE000  }
0x61: {  	[tilespmem:s22], [sflag:$0x4] =	stream.indirect.gather [hbm4b:s4+s16], $0x40, s6, s16, $0xb8;
	[tilespmem:$0x13400] =	vst v63  }
0x62: {  	_ =	swait.ge [sflag:s9], $0x2000  }
0x63: {  	s15 =	rddreg [dreg:$0x3];
	[sflag:s9] =	ssyncset.done $0x0  }
0x64: {  	[sflag:s9] =	ssyncadd.s32 $0xFFFFE000;
	s2 =	sadd.s32 s14, s15  }
0x65: {  	[hbm4b:s2+s3] =	stream.linear.scatter [tilespmem:s19], [sflag:$0x10], $0x2000, $0x38;
	[tilespmem:$0x13400] =	vst v63  }
0x66: {  	_ =	swait.ge [sflag:s10], $0x2000  }
0x67: {  	[sflag:s10] =	ssyncset.done $0x0  }
0x68: {  	s6 =	simm.s32 $0x600;
	[sflag:s10] =	ssyncadd.s32 $0xFFFFE000  }
0x69: {  	[tilespmem:s24], [sflag:$0x5] =	stream.indirect.gather [hbm4b:s4+s16], $0x40, s6, s16, $0xb8;
	[tilespmem:$0x13400] =	vst v63  }
0x6a: {  	_ =	swait.ge [sflag:s25], $0x2000  }
0x6b: {  	s15 =	rddreg [dreg:$0xa];
	[sflag:s25] =	ssyncset.done $0x0  }
0x6c: {  	[sflag:s25] =	ssyncadd.s32 $0xFFFFE000;
	s2 =	sadd.s32 s14, s15  }
0x6d: {  	[hbm4b:s2+s3] =	stream.linear.scatter [tilespmem:s17], [sflag:$0x9], $0x2000, $0x38;
	[tilespmem:$0x13400] =	vst v63  }
0x6e: {  	_ =	swait.ge [sflag:s11], $0x2000  }
0x6f: {  	[sflag:s11] =	ssyncset.done $0x0  }
0x70: {  	s6 =	simm.s32 $0x680;
	[sflag:s11] =	ssyncadd.s32 $0xFFFFE000  }
0x71: {  	[tilespmem:s28], [sflag:$0x6] =	stream.indirect.gather [hbm4b:s4+s16], $0x40, s6, s16, $0xb8;
	[tilespmem:$0x13400] =	vst v63  }
0x72: {  	_ =	swait.ge [sflag:s29], $0x2000  }
0x73: {  	s15 =	rddreg [dreg:$0x9];
	[sflag:s29] =	ssyncset.done $0x0  }
0x74: {  	[sflag:s29] =	ssyncadd.s32 $0xFFFFE000;
	s2 =	sadd.s32 s14, s15  }
0x75: {  	[hbm4b:s2+s3] =	stream.linear.scatter [tilespmem:s18], [sflag:$0xA], $0x2000, $0x38;
	[tilespmem:$0x13400] =	vst v63  }
0x76: {  	_ =	swait.ge [sflag:s12], $0x2000  }
0x77: {  	[sflag:s12] =	ssyncset.done $0x0  }
0x78: {  	s6 =	simm.s32 $0x700;
	[sflag:s12] =	ssyncadd.s32 $0xFFFFE000  }
0x79: {  	[tilespmem:s31], [sflag:$0x7] =	stream.indirect.gather [hbm4b:s4+s16], $0x40, s6, s16, $0xb8;
	[tilespmem:$0x13400] =	vst v63  }
0x7a: {  	_ =	swait.ge [sflag:s1], $0x2000  }
0x7b: {  	s15 =	rddreg [dreg:$0x8];
	[sflag:s1] =	ssyncset.done $0x0  }
0x7c: {  	[sflag:s1] =	ssyncadd.s32 $0xFFFFE000;
	s2 =	sadd.s32 s14, s15  }
0x7d: {  	[hbm4b:s2+s3] =	stream.linear.scatter [tilespmem:s20], [sflag:$0xB], $0x2000, $0x38;
	[tilespmem:$0x13400] =	vst v63  }
0x7e: {  	_ =	swait.ge [sflag:s13], $0x2000  }
0x7f: {  	[sflag:s13] =	ssyncset.done $0x0  }
0x80: {  	s6 =	simm.s32 $0x780;
	[sflag:s13] =	ssyncadd.s32 $0xFFFFE000  }
0x81: {  	[tilespmem:s19], [sflag:$0x8] =	stream.indirect.gather [hbm4b:s4+s16], $0x40, s6, s16, $0xb8;
	[tilespmem:$0x13400] =	vst v63  }
0x82: {  	_ =	swait.ge [sflag:s21], $0x2000  }
0x83: {  	s6 =	simm.s32 $0x1000;
	s15 =	rddreg [dreg:$0x7];
	[sflag:s21] =	ssyncset.done $0x0  }
0x84: {  	[sflag:s21] =	ssyncadd.s32 $0xFFFFE000;
	s2 =	sadd.s32 s14, s15;
	s15 =	sadd.s32 $0x2000, s14  }
.LBB2_2:
0x85: {  	[hbm4b:s2+s3] =	stream.linear.scatter [tilespmem:s22], [sflag:$0xC], $0x2000, $0x38;
	[tilespmem:$0x13400] =	vst v63  }
0x86: {  	s14 =	smov.u32 s6;
	_ =	swait.ge [sflag:s23], $0x2000  }
0x87: {  	s2 =	sshra.s32 s14, $0x2;
	[sflag:s23] =	ssyncset.done $0x0  }
0x88: {  	s14 =	sadd.s32 $0x400, s2;
	[sflag:s23] =	ssyncadd.s32 $0xFFFFE000  }
0x89: {  	[tilespmem:s17], [sflag:$0x1] =	stream.indirect.gather [hbm4b:s4+s16], $0x40, s14, s16, $0xb8;
	[tilespmem:$0x13400] =	vst v63  }
0x8a: {  	_ =	swait.ge [sflag:s26], $0x2000  }
0x8b: {  	s14 =	rddreg [dreg:$0x6];
	[sflag:s26] =	ssyncset.done $0x0  }
0x8c: {  	[sflag:s26] =	ssyncadd.s32 $0xFFFFE000;
	s14 =	sadd.s32 s15, s14  }
0x8d: {  	[hbm4b:s14+s3] =	stream.linear.scatter [tilespmem:s24], [sflag:$0xD], $0x2000, $0x38;
	[tilespmem:$0x13400] =	vst v63  }
0x8e: {  	_ =	swait.ge [sflag:s30], $0x2000  }
0x8f: {  	[sflag:s30] =	ssyncset.done $0x0  }
0x90: {  	s14 =	sadd.s32 $0x480, s2;
	[sflag:s30] =	ssyncadd.s32 $0xFFFFE000  }
0x91: {  	[tilespmem:s18], [sflag:$0x2] =	stream.indirect.gather [hbm4b:s4+s16], $0x40, s14, s16, $0xb8;
	[tilespmem:$0x13400] =	vst v63  }
0x92: {  	_ =	swait.ge [sflag:s0], $0x2000  }
0x93: {  	s14 =	rddreg [dreg:$0x5];
	[sflag:s0] =	ssyncset.done $0x0  }
0x94: {  	[sflag:s0] =	ssyncadd.s32 $0xFFFFE000;
	s14 =	sadd.s32 s15, s14  }
0x95: {  	[hbm4b:s14+s3] =	stream.linear.scatter [tilespmem:s28], [sflag:$0xE], $0x2000, $0x38;
	[tilespmem:$0x13400] =	vst v63  }
0x96: {  	_ =	swait.ge [sflag:s5], $0x2000  }
0x97: {  	[sflag:s5] =	ssyncset.done $0x0  }
0x98: {  	s14 =	sadd.s32 $0x500, s2;
	[sflag:s5] =	ssyncadd.s32 $0xFFFFE000  }
0x99: {  	[tilespmem:s20], [sflag:$0x3] =	stream.indirect.gather [hbm4b:s4+s16], $0x40, s14, s16, $0xb8;
	[tilespmem:$0x13400] =	vst v63  }
0x9a: {  	_ =	swait.ge [sflag:s7], $0x2000  }
0x9b: {  	s14 =	rddreg [dreg:$0x4];
	[sflag:s7] =	ssyncset.done $0x0  }
0x9c: {  	[sflag:s7] =	ssyncadd.s32 $0xFFFFE000;
	s14 =	sadd.s32 s15, s14  }
0x9d: {  	[hbm4b:s14+s3] =	stream.linear.scatter [tilespmem:s31], [sflag:$0xF], $0x2000, $0x38;
	[tilespmem:$0x13400] =	vst v63  }
0x9e: {  	_ =	swait.ge [sflag:s8], $0x2000  }
0x9f: {  	[sflag:s8] =	ssyncset.done $0x0  }
0xa0: {  	s14 =	sadd.s32 $0x580, s2;
	[sflag:s8] =	ssyncadd.s32 $0xFFFFE000  }
0xa1: {  	[tilespmem:s22], [sflag:$0x4] =	stream.indirect.gather [hbm4b:s4+s16], $0x40, s14, s16, $0xb8;
	[tilespmem:$0x13400] =	vst v63  }
0xa2: {  	_ =	swait.ge [sflag:s9], $0x2000  }
0xa3: {  	s14 =	rddreg [dreg:$0x3];
	[sflag:s9] =	ssyncset.done $0x0  }
0xa4: {  	[sflag:s9] =	ssyncadd.s32 $0xFFFFE000;
	s14 =	sadd.s32 s15, s14  }
0xa5: {  	[hbm4b:s14+s3] =	stream.linear.scatter [tilespmem:s19], [sflag:$0x10], $0x2000, $0x38;
	[tilespmem:$0x13400] =	vst v63  }
0xa6: {  	_ =	swait.ge [sflag:s10], $0x2000  }
0xa7: {  	[sflag:s10] =	ssyncset.done $0x0  }
0xa8: {  	s14 =	sadd.s32 $0x600, s2;
	[sflag:s10] =	ssyncadd.s32 $0xFFFFE000  }
0xa9: {  	[tilespmem:s24], [sflag:$0x5] =	stream.indirect.gather [hbm4b:s4+s16], $0x40, s14, s16, $0xb8;
	[tilespmem:$0x13400] =	vst v63  }
0xaa: {  	_ =	swait.ge [sflag:s25], $0x2000  }
0xab: {  	s14 =	rddreg [dreg:$0xa];
	[sflag:s25] =	ssyncset.done $0x0  }
0xac: {  	[sflag:s25] =	ssyncadd.s32 $0xFFFFE000;
	s14 =	sadd.s32 s15, s14  }
0xad: {  	[hbm4b:s14+s3] =	stream.linear.scatter [tilespmem:s17], [sflag:$0x9], $0x2000, $0x38;
	[tilespmem:$0x13400] =	vst v63  }
0xae: {  	_ =	swait.ge [sflag:s11], $0x2000  }
0xaf: {  	[sflag:s11] =	ssyncset.done $0x0  }
0xb0: {  	s14 =	sadd.s32 $0x680, s2;
	[sflag:s11] =	ssyncadd.s32 $0xFFFFE000  }
0xb1: {  	[tilespmem:s28], [sflag:$0x6] =	stream.indirect.gather [hbm4b:s4+s16], $0x40, s14, s16, $0xb8;
	[tilespmem:$0x13400] =	vst v63  }
0xb2: {  	_ =	swait.ge [sflag:s29], $0x2000  }
0xb3: {  	s14 =	rddreg [dreg:$0x9];
	[sflag:s29] =	ssyncset.done $0x0  }
0xb4: {  	[sflag:s29] =	ssyncadd.s32 $0xFFFFE000;
	s14 =	sadd.s32 s15, s14  }
0xb5: {  	[hbm4b:s14+s3] =	stream.linear.scatter [tilespmem:s18], [sflag:$0xA], $0x2000, $0x38;
	[tilespmem:$0x13400] =	vst v63  }
0xb6: {  	_ =	swait.ge [sflag:s12], $0x2000  }
0xb7: {  	[sflag:s12] =	ssyncset.done $0x0  }
0xb8: {  	s14 =	sadd.s32 $0x700, s2;
	[sflag:s12] =	ssyncadd.s32 $0xFFFFE000  }
0xb9: {  	[tilespmem:s31], [sflag:$0x7] =	stream.indirect.gather [hbm4b:s4+s16], $0x40, s14, s16, $0xb8;
	[tilespmem:$0x13400] =	vst v63  }
0xba: {  	_ =	swait.ge [sflag:s1], $0x2000  }
0xbb: {  	s14 =	rddreg [dreg:$0x8];
	[sflag:s1] =	ssyncset.done $0x0  }
0xbc: {  	[sflag:s1] =	ssyncadd.s32 $0xFFFFE000;
	s14 =	sadd.s32 s15, s14  }
0xbd: {  	[hbm4b:s14+s3] =	stream.linear.scatter [tilespmem:s20], [sflag:$0xB], $0x2000, $0x38;
	[tilespmem:$0x13400] =	vst v63  }
0xbe: {  	_ =	swait.ge [sflag:s13], $0x2000  }
0xbf: {  	p0 =	sne.s32 s6, $0xB000;
	[sflag:s13] =	ssyncset.done $0x0  }
.Ltmp0:
0xc0: {  	s2 =	sadd.s32 $0x780, s2;
	[sflag:s13] =	ssyncadd.s32 $0xFFFFE000;
	(pc) =	sbr.rel @p0 .LBB2_2-.Ltmp0, $4  }
0xc1: {  	[tilespmem:s19], [sflag:$0x8] =	stream.indirect.gather [hbm4b:s4+s16], $0x40, s2, s16, $0xb8;
	[tilespmem:$0x13400] =	vst v63  }
0xc2: {  	_ =	swait.ge [sflag:s21], $0x2000  }
0xc3: {  	s6 =	sadd.s32 $0x1000, s6;
	[sflag:s21] =	ssyncset.done $0x0;
	s14 =	rddreg [dreg:$0x7]  }
0xc4: {  	[sflag:s21] =	ssyncadd.s32 $0xFFFFE000;
	s2 =	sadd.s32 s15, s14;
	s15 =	sadd.s32 $0x2000, s15  }
0xc5: {  	[hbm4b:s2+s3] =	stream.linear.scatter [tilespmem:s22], [sflag:$0xC], $0x2000, $0x38;
	[tilespmem:$0x13400] =	vst v63  }
0xc6: {  	_ =	swait.ge [sflag:s26], $0x2000  }
0xc7: {  	[sflag:s26] =	ssyncset.done $0x0  }
0xc8: {  	s14 =	rddreg [dreg:$0x10];
	[sflag:s26] =	ssyncadd.s32 $0xFFFFE000  }
0xc9: {  	[hbm4b:s14+s3] =	stream.linear.scatter [tilespmem:s24], [sflag:$0xD], $0x2000, $0x38;
	[tilespmem:$0x13400] =	vst v63  }
0xca: {  	_ =	swait.ge [sflag:s0], $0x2000  }
0xcb: {  	[sflag:s0] =	ssyncset.done $0x0  }
0xcc: {  	s15 =	rddreg [dreg:$0x11];
	[sflag:s0] =	ssyncadd.s32 $0xFFFFE000  }
0xcd: {  	[hbm4b:s15+s3] =	stream.linear.scatter [tilespmem:s28], [sflag:$0xE], $0x2000, $0x38;
	[tilespmem:$0x13400] =	vst v63  }
0xce: {  	_ =	swait.ge [sflag:s7], $0x2000  }
0xcf: {  	[sflag:s7] =	ssyncset.done $0x0  }
0xd0: {  	s6 =	rddreg [dreg:$0x12];
	[sflag:s7] =	ssyncadd.s32 $0xFFFFE000  }
0xd1: {  	[hbm4b:s6+s3] =	stream.linear.scatter [tilespmem:s31], [sflag:$0xF], $0x2000, $0x38;
	[tilespmem:$0x13400] =	vst v63  }
0xd2: {  	_ =	swait.ge [sflag:s9], $0x2000  }
0xd3: {  	[sflag:s9] =	ssyncset.done $0x0  }
0xd4: {  	s14 =	rddreg [dreg:$0x13];
	[sflag:s9] =	ssyncadd.s32 $0xFFFFE000  }
0xd5: {  	[hbm4b:s14+s3] =	stream.linear.scatter [tilespmem:s19], [sflag:$0x10], $0x2000, $0x38;
	[tilespmem:$0x13400] =	vst v63  }
0xd6: {  	_ =	swait.ge [sflag:s23], $0x2000  }
0xd7: {  	[sflag:s23] =	ssyncset.done $0x0  }
0xd8: {  	[sflag:s23] =	ssyncadd.s32 $0xFFFFE000  }
0xd9: {  	_ =	swait.ge [sflag:s30], $0x2000  }
0xda: {  	[sflag:s30] =	ssyncset.done $0x0  }
0xdb: {  	[sflag:s30] =	ssyncadd.s32 $0xFFFFE000  }
0xdc: {  	_ =	swait.ge [sflag:s5], $0x2000  }
0xdd: {  	[sflag:s5] =	ssyncset.done $0x0  }
0xde: {  	[sflag:s5] =	ssyncadd.s32 $0xFFFFE000  }
0xdf: {  	_ =	swait.ge [sflag:s8], $0x2000  }
0xe0: {  	[sflag:s8] =	ssyncset.done $0x0  }
0xe1: {  	[sflag:s8] =	ssyncadd.s32 $0xFFFFE000  }
0xe2: {  	_ =	swait.ge [sflag:s10], $0x2000  }
0xe3: {  	[sflag:s10] =	ssyncset.done $0x0  }
0xe4: {  	[sflag:s10] =	ssyncadd.s32 $0xFFFFE000  }
0xe5: {  	_ =	swait.ge [sflag:s11], $0x2000  }
0xe6: {  	[sflag:s11] =	ssyncset.done $0x0  }
0xe7: {  	[sflag:s11] =	ssyncadd.s32 $0xFFFFE000  }
0xe8: {  	_ =	swait.ge [sflag:s12], $0x2000  }
0xe9: {  	[sflag:s12] =	ssyncset.done $0x0  }
0xea: {  	[sflag:s12] =	ssyncadd.s32 $0xFFFFE000  }
0xeb: {  	_ =	swait.ge [sflag:s13], $0x2000  }
0xec: {  	s6 =	rddreg [dreg:$0x15]  }
0xed: {  	s15 =	rddreg [dreg:$0x14];
	s6 =	sadd.s32 $0x1, s6  }
0xee: {  	p0 =	sne.s32 s6, s15  }
.Ltmp1:
0xef: {  	_ = 	snop;
	(pc) =	sbr.rel @p0 .LBB2_1-.Ltmp1, $3  }
0xf0: {  	_ =	sdelay $0x1  }
0xf1: {  	[sflag:s13] =	ssyncset.done $0x0  }
0xf2: {  	[sflag:s13] =	ssyncadd.s32 $0xFFFFE000  }
0xf3: {  	_ =	sfence.sel $0x180000  }
0xf4: {  	[bflag:$0x0] =	sbarrier.arrive $0xFFFF  }
0xf5: {  	_ =	strace $0x90000047  }
0xf6: {  	s0 =	stileid.u32;
	[bflag:$0x2] =	sbarrier.arrive $0xFFFF  }
0xf7: {  	p0 =	sne.s32 s0, $0x0;
	s0 =	rddreg [dreg:$0x2]  }
0xf8: {  	s0 =	sadd.s32 @!p0 $0x100000, s0  }
0xf9: {  	[sflag:s0] =	ssyncadd.tile.s32 @!p0 $0x1;
	_ =	shalt  }
.Lfunc_end2:
_tile_overlayer_lowered:
.L_overlay_start_2:
0xfa: {  	(tag) =	ssettag $0x2  }
0xfb: {  	s0 =	rddreg [dreg:$0x0];
	s2 =	stileid.u32  }
0xfc: {  	s1 =	rddreg [dreg:$0x1];
	p0 =	sne.s32 s2, $0x0  }
0xfd: {  	s3 =	rddreg [dreg:$0x2];
	[bflag:$0x3] =	sbarrier.arrive $0xFFFF;
	s2 =	simm.s32 @!p0 $0x1C11  }
0xfe: {  	[timem:s3], [sflag:s2] =	dma.local @!p0 [hbm:s0], s1  }
0xff: {  	s0 =	simm.s32 @!p0 $0x11  }
0x100: {  	_ =	swait.ge @!p0 [sflag:s0], s1  }
0x101: {  	s1 =	ssub.s32 @!p0 $0x0, s1;
	[sflag:s0] =	ssyncset.done @!p0 $0x0  }
0x102: {  	[sflag:s0] =	ssyncadd.s32 @!p0 s1  }
0x103: {  	[bflag:$0x3] =	sbarrier.arrive $0xFFFF  }
0x104: {  	_ =	shalt  }

// kernel: sparse-core-data-format-call.cloned.1.call-start
scs
called_computation_lowered:
.L_overlay_start_0:
0x0: {  	s2 =	sld [smem:$0x3FD9]  }
0x1: {  	s3 =	sld [smem:$0x3FFE];
	_ =	sdelay $0x1  }
0x2: {  	s1 =	srdreg.scid  }
0x3: {  	s0 =	sand.u32 $0x1, s1  }
0x4: {  	s18 =	sshll.u32 s0, $0xA;
	s2 =	sadd.s32 s3, s2  }
0x5: {  	s2 =	sadd.s32 s2, s18  }
0x6: {  	[smem:$0x3FC6] =	sst s2  }
0x7: {  	_ = 	snop  }
0x8: {  	s2 =	sld [smem:$0x3FD0];
	(tm) =	ssettm $0x1  }
0x9: {  	s19 =	sld [smem:$0x3FFB];
	_ =	sdelay $0x3  }
0xa: {  	_ =	strace s19  }
0xb: {  	s3 =	sld [smem:$0x3FFC];
	_ =	sdelay $0x3  }
0xc: {  	_ =	strace s3  }
0xd: {  	s3 =	sld [smem:$0x3FFD];
	_ =	sdelay $0x3  }
0xe: {  	_ =	strace s3  }
0xf: {  	_ =	strace $0x8FFFFFFF  }
0x10: {  	s20 =	sld [smem:$0x3FDB];
	_ =	sdelay $0x1  }
0x11: {  	s4 =	simm.s32 $_scs_section_size  }
0x12: {  	s5 =	simm.s32 $_size__tile_overlayer_lowered;
	s6 =	simm.s32 $_tile_overlayer_lowered  }
0x13: {  	s23 =	simm.s32 $0x1BFF;
	s22 =	sshll.u32 s6, $0x1;
	s3 =	sadd.s32 s4, s20  }
0x14: {  	s7 =	simm.s32 $0x0;
	s21 =	sshll.u32 s5, $0x1;
	s5 =	sadd.s32 s22, s3  }
0x15: {  	[timem:s7], [sflag:s23] =	dma.local [hbm:s5], s21  }
0x16: {  	_ =	swait.ge [sflag:s23], s21  }
0x17: {  	s4 =	ssub.s32 $0x0, s21;
	[sflag:s23] =	ssyncset.done $0x0  }
0x18: {  	[sflag:s23] =	ssyncadd.s32 s4;
	_ =	sdelay $0x1  }
0x19: {  	s24 =	simm.s32 $0x1B8B  }
0x1a: {  	_ =	swait.ge [sflag:s24], $0x1  }
0x1b: {  	[sflag:s24] =	ssyncset.done $0x0  }
0x1c: {  	s26 =	simm.s32 $0x1B8E;
	s25 =	sld [smem:$0x3FFE];
	[sflag:s24] =	ssyncadd.s32 $0xFFFFFFFF  }
0x1d: {  	s27 =	simm.s32 $execute0_lowered;
	[smem:$0x3FD2] =	sst s26  }
0x1e: {  	s5 =	sshll.u32 s27, $0x1;
	_ =	strace $0x80000049;
	[dreg:$0x1] =	wrdreg $0xFFFFFFFF  }
0x1f: {  	s28 =	simm.s32 $_size_execute0_lowered;
	s3 =	sadd.s32 s3, s5;
	[dreg:$0x0] =	wrdreg $0x0  }
0x20: {  	s5 =	sshll.u32 s28, $0x1;
	[dreg:$0x2] =	wrdreg s3  }
0x21: {  	[dreg:$0x3] =	wrdreg s5  }
0x22: {  	[dreg:$0x4] =	wrdreg $0xC0  }
0x23: {  	_ =	task [dreg:s7], $0x5FFFF  }
0x24: {  	[dreg:$0x1] =	wrdreg $0xFFFFFFFF  }
0x25: {  	[dreg:$0x0] =	wrdreg $0x60  }
0x26: {  	[dreg:$0x2] =	wrdreg s25  }
0x27: {  	[dreg:$0x3] =	wrdreg s2  }
0x28: {  	[dreg:$0x4] =	wrdreg $0x9  }
0x29: {  	_ =	task.clear_ibuf [dreg:s7], $0x5FFFF;
	_ =	strace $0x90000049  }
0x2a: {  	s29 =	simm.s32 $0x9;
	_ =	strace $0x8000004B  }
0x2b: {  	_ =	swait.ge [sflag:s29], $0x1  }
0x2c: {  	[sflag:s29] =	ssyncadd.s32 $0xFFFFFFFF  }
0x2d: {  	_ =	strace $0x9000004B  }
0x2e: {  	_ =	sfence  }
0x2f: {  	s30 =	sld [smem:$0x0];
	_ =	sdelay $0x2  }
0x30: {  	s31 =	sshll.u32 s1, $0xD;
	s1 =	sshrl.u32 s1, $0x2  }
0x31: {  	s3 =	sand.u32 $0x4000, s31;
	s1 =	sadd.s32 s1, s30  }
0x32: {  	s0 =	sor.u32 s3, s0;
	s1 =	sshll.u32 s1, $0x11  }
0x33: {  	s0 =	sor.u32 s1, s0  }
0x34: {  	s0 =	sadd.s32 $0x8F2B, s0  }
0x35: {  	[sflag:s0] =	ssyncadd.remote.s32 $0x1  }
0x36: {  	_ =	sfence.sel $0xFFFF  }
0x37: {  	[dreg:$0x0] =	wrdreg $0xFFFFFFFF;
	(pc) =	sbr.abs _section_cstart, $3  }
0x38: {  	[dreg:$0x1] =	wrdreg $0xFFFFFFFF  }
0x39: {  	_ =	task.clear_ibuf [dreg:s7], $0x2FFFF;
	_ =	strace $0x9FFFFFFF  }
0x3a: {  	(tm) =	ssettm $0x7FFFFFFF  }
0x3b: {  	_ =	shalt  }
tec
execute0_lowered:
.L_overlay_start_1:
0x0: {  	(tag) =	ssettag $0x1  }
0x1: {  	s0 =	srdreg.scid  }
0x2: {  	s1 =	sshll.u32 s0, $0x4  }
0x3: {  	s0 =	stileid.u32;
	s1 =	sand.u32 $0x10, s1  }
0x4: {  	s1 =	sor.u32 s0, s1  }
0x5: {  	s6 =	rddreg [dreg:$0x0];
	s4 =	simm.s32 $0x1;
	s2 =	sshll.u32 s1, $0x7  }
0x6: {  	s7 =	simm.s32 $0x2;
	s12 =	simm.s32 $0x0;
	s1 =	ssub.s32 $0x4000, s2  }
0x7: {  	s8 =	simm.s32 $0x20000;
	s13 =	simm.s32 $0x0;
	s3 =	sand.u32 $0xF80, s1  }
0x8: {  	s9 =	simm.s32 $0x0;
	s5 =	sshrl.u32 s1, $0xC;
	p0 =	sne.s32 s3, $0x0  }
.Ltmp0:
0x9: {  	s1 =	rddreg [dreg:$0x2];
	s4 =	simm.s32 @!p0 $0x0;
	(pc) =	sbr.rel .LBB1_1-.Ltmp0, $4  }
0xa: {  	s11 =	simm.s32 $0x0;
	s3 =	rddreg [dreg:$0x1];
	s5 =	sadd.s32 s4, s5  }
0xb: {  	_ =	strace $0x8000004A;
	s4 =	simm.s32 $0x1;
	s5 =	smul.u32 $0x1A, s5  }
0xc: {  	s6 =	sadd.s32 $0xA00, s6;
	s10 =	smov.u32 s2;
	[sflag:s4] =	ssyncpa.u1 $0x0  }
0xd: {  	p0 =	por $0x0, $0x0;
	[sflag:s7] =	ssyncpa.u1 $0x0;
	s7 =	sor.u32 $0x1, s5  }
.LBB1_4:
0xe: {  	s16 =	sshll.u32 s13, $0x3;
	s17 =	sand.u32 $0x78, s13  }
0xf: {  	s30 =	sand.u32 $0x1F800, s13;
	s12 =	sshll.u32 s12, $0x11;
	s16 =	sand.u32 $0x3C00, s16  }
0x10: {  	[tilespmem:s15+$0x810 ss:$0x81] =	vst.msk $0xffff, v2;
	s31 =	sand.u32 $0x7, s13;
	s16 =	sor.u32 s17, s16;
	s17 =	sadd.s32 s3, s30  }
0x11: {  	[tilespmem:s15+$0x1020 ss:$0x81] =	vst.msk $0xffff, v0;
	s13 =	sshll.u32 s31, $0x12;
	s12 =	sadd.s32 s12, s17;
	s16 =	sshrl.u32 s16, $0x3  }
0x12: {  	[tilespmem:s15+$0x0 ss:$0x81] =	vst.msk $0xffff, v1;
	s13 =	sor.u32 $0x400, s13;
	s12 =	sadd.s32 s16, s12  }
0x13: {  	[hbm4b:s12+s13] =	stream.strided.scatter [tilespmem:s14], [sflag:$0x2], $0x2000, s8, s13, $0x20;
	[tilespmem:$0x8080] =	vst v63  }
.LBB1_5:
0x14: {  	s14 =	sadd.s32 $0x1, s9  }
0x15: {  	s12 =	sadd.s32 $0x1000, s10;
	s16 =	smov.u32 s10;
	p2 =	sgt.s32 s14, $0x19  }
0x16: {  	s16 =	smov.u32 @p2 s12  }
0x17: {  	s14 =	simm.s32 @p2 $0x0;
	p2 =	sgt.s32 s16, $0x3FFF  }
0x18: {  	s16 =	smov.u32 @p2 s2;
	p2 =	sne.s32 s11, s7  }
.Ltmp1:
0x19: {  	p1 =	slt.u32 s11, $0x2;
	(pc) =	sbr.rel @!p2 .LBB1_6-.Ltmp1, $4  }
0x1a: {  	s15 =	simm.s32 @!p1 $0x2  }
0x1b: {  	s13 =	smov.u32 s10;
	p0 =	por !p0, !p0;
	_ =	swait.ge @!p1 [sflag:s15], $0x2000  }
0x1c: {  	s12 =	smov.u32 s9;
	[sflag:s15] =	ssyncset.done @!p1 $0x0;
	s9 =	smov.u32 s14  }
0x1d: {  	s11 =	sadd.s32 $0x1, s11;
	[sflag:s15] =	ssyncadd.s32 @!p1 $0xFFFFE000;
	s10 =	smov.u32 s16  }
.LBB1_1:
0x1e: {  	p1 =	sge.u32 s11, s5  }
0x1f: {  	s31 =	sadd.s32 $0xFFFFFFFF, s11;
	s14 =	sxor.u32 @!p1 $0xFFFFFFFF, s11  }
0x20: {  	s15 =	sshll.u32 @!p1 s10, $0x9;
	s16 =	sshll.u32 @!p1 s9, $0x4;
	s17 =	simm.s32 @!p1 $0x1000  }
0x21: {  	s14 =	sshll.u32 @!p1 s14, $0xD;
	s16 =	sand.u32 @!p1 $0x1F0, s16;
	s15 =	sadd.s32 @!p1 s6, s15  }
0x22: {  	s14 =	sand.u32 @!p1 $0x2000, s14;
	s15 =	sadd.s32 @!p1 s16, s15;
	s16 =	simm.s32 @!p1 $0x40  }
0x23: {  	[tilespmem:s14], [sflag:$0x1] =	stream.strided.gather @!p1 [hbm4b:s15+s16], $0x2000, s17, s16, $0x38;
	[tilespmem:$0x8080] =	vst v63  }
0x24: {  	p1 =	sge.u32 s31, s5  }
.Ltmp2:
0x25: {  	_ = 	snop;
	(pc) =	sbr.rel @p1 .LBB1_5-.Ltmp2, $1  }
0x26: {  	_ =	sdelay $0x3  }
0x27: {  	s14 =	simm.s32 $0x1  }
0x28: {  	_ =	swait.ge [sflag:s4], $0x2000;
	s14 =	simm.s32 @!p0 $0x0  }
0x29: {  	[sflag:s4] =	ssyncset.done $0x0;
	s15 =	sshll.u32 s14, $0xD  }
0x2a: {  	[sflag:s4] =	ssyncadd.s32 $0xFFFFE000;
	s18 =	sor.u32 $0x20, s15  }
0x2b: {  	s14 =	smul.u32 $0x8100, s14;
	v3 =	vld [tilespmem:s18+$0x10]  }
0x2c: {  	s30 =	sand.u32 $0x1, s11;
	v2 =	vld [tilespmem:s18+$0xFFFFFFF0]  }
0x2d: {  	s15 =	smul.u32 $0x8100, s30;
	s14 =	sshrl.u32 s14, $0x2;
	v0 =	vld [tilespmem:s18+$0x0]  }
0x2e: {  	v1 =	vld [tilespmem:s18+$0xFFFFFFE0];
	s16 =	sor.u32 $0x4000, s14  }
0x2f: {  	s31 =	sshrl.u32 s15, $0x2;
	s15 =	sadd.s32 $0x0, s16  }
0x30: {  	s17 =	simm.s32 $0x4;
	s18 =	sadd.s32 $0x40, s18;
	s14 =	sor.u32 $0x4000, s31;
	[tilespmem:s15+$0x1830 ss:$0x81] =	vst.msk $0xffff, v3  }
.LBB1_3:
0x31: {  	v3 =	vld [tilespmem:s18+$0x10];
	p1 =	sne.s32 s17, $0x1FC;
	[tilespmem:s15+$0x810 ss:$0x81] =	vst.msk $0xffff, v2;
	s19 =	smov.u32 s17;
	s17 =	sadd.s32 $0x4, s17  }
.Ltmp3:
0x32: {  	v2 =	vld [tilespmem:s18+$0xFFFFFFF0];
	[tilespmem:s15+$0x1020 ss:$0x81] =	vst.msk $0xffff, v0;
	(pc) =	sbr.rel @p1 .LBB1_3-.Ltmp3, $4  }
0x33: {  	v0 =	vld [tilespmem:s18+$0x0];
	[tilespmem:s15+$0x0 ss:$0x81] =	vst.msk $0xffff, v1  }
0x34: {  	s15 =	sshra.s32 s19, $0x2;
	v1 =	vld [tilespmem:s18+$0xFFFFFFE0]  }
0x35: {  	s15 =	sadd.s32 s15, s16  }
0x36: {  	s18 =	sadd.s32 $0x40, s18;
	[tilespmem:s15+$0x1830 ss:$0x81] =	vst.msk $0xffff, v3  }
.Ltmp4:
0x37: {  	_ = 	snop;
	(pc) =	sbr.rel .LBB1_4-.Ltmp4, $1  }
0x38: {  	_ =	sdelay $0x3  }
.LBB1_6:
0x39: {  	_ =	sfence.sel $0x180000  }
0x3a: {  	s2 =	simm.s32 $0x1;
	[bflag:$0x0] =	sbarrier.arrive $0xFFFF  }
0x3b: {  	s31 =	simm.s32 $0x2;
	[sflag:s2] =	ssyncpa.u1 $0x1  }
0x3c: {  	[sflag:s31] =	ssyncpa.u1 $0x1  }
0x3d: {  	p0 =	sne.s32 s0, $0x0;
	_ =	strace $0x9000004A  }
0x3e: {  	s0 =	sadd.s32 @!p0 $0x100000, s1;
	[bflag:$0x2] =	sbarrier.arrive $0xFFFF  }
0x3f: {  	[sflag:s0] =	ssyncadd.tile.s32 @!p0 $0x1;
	_ =	shalt  }
.Lfunc_end1:
_tile_overlayer_lowered:
.L_overlay_start_2:
0x40: {  	(tag) =	ssettag $0x2  }
0x41: {  	s0 =	rddreg [dreg:$0x0];
	s2 =	stileid.u32  }
0x42: {  	s1 =	rddreg [dreg:$0x1];
	p0 =	sne.s32 s2, $0x0  }
0x43: {  	s3 =	rddreg [dreg:$0x2];
	[bflag:$0x3] =	sbarrier.arrive $0xFFFF;
	s2 =	simm.s32 @!p0 $0x1C01  }
0x44: {  	[timem:s3], [sflag:s2] =	dma.local @!p0 [hbm:s0], s1  }
0x45: {  	s0 =	simm.s32 @!p0 $0x1  }
0x46: {  	_ =	swait.ge @!p0 [sflag:s0], s1  }
0x47: {  	s1 =	ssub.s32 @!p0 $0x0, s1;
	[sflag:s0] =	ssyncset.done @!p0 $0x0  }
0x48: {  	[sflag:s0] =	ssyncadd.s32 @!p0 s1  }
0x49: {  	[bflag:$0x3] =	sbarrier.arrive $0xFFFF  }
0x4a: {  	_ =	shalt  }

</sc_bundles>
